<compile_context>
chip_gen: v7x
topology: tpu7x:2x2x1
jax: 0.10.2.dev20260603
libtpu: 0.0.44.dev20260713+nightly
codegen_flags: <defaults>
</compile_context>

<pallas_src>
import jax
import jax.numpy as jnp
from jax import lax
from jax.experimental import pallas as pl
from jax.experimental.pallas import tpu as pltpu
from jax.experimental.pallas import tpu_sc as plsc

N_NODES = 10000
IN_DIM = 128
HID = 128
OUT_DIM = 64
N_EDGES = 320000
BN_INV = 1.0 / (1.0 + 1e-5) ** 0.5

NC = 2
NT = 16
CHUNK = 125
SUP = 40
CP_TILES = 10
CP_ROWS = N_NODES // CP_TILES
EPT = N_EDGES // (NC * NT)
NROW = EPT // CHUNK
R = 1000
GRID = N_NODES // R


def _mesh():
    return plsc.VectorSubcoreMesh(core_axis_name="c", subcore_axis_name="s")




HROWS = 80
HCAP = HROWS * 128
TRASH = HCAP - 1
DEG_ROWS = NC * NT * HROWS


def _deg_body(dst_hbm, out_hbm, hist1, di):
    cid = lax.axis_index("c")
    sid = lax.axis_index("s")
    wid = cid * NT + sid

    row0 = wid * HROWS
    pltpu.sync_copy(dst_hbm.at[pl.ds(row0, HROWS)], di)

    zeros = jnp.zeros((16,), jnp.float32)
    ones = jnp.full((16,), 1.0, jnp.float32)

    def zbody(j, carry):
        hist1[pl.ds(j * 16, 16)] = zeros
        return carry

    lax.fori_loop(0, HCAP // 16, zbody, 0)

    def body(j, carry):
        for k in range(8):
            idx = di[j, pl.ds(k * 16, 16)]
            plsc.addupdate_scatter(hist1, [idx], ones)
        return carry

    lax.fori_loop(0, HROWS, body, 0)
    pltpu.sync_copy(hist1, out_hbm.at[wid])


def _deg_call(dst128):
    k = pl.kernel(
        _deg_body,
        out_type=jax.ShapeDtypeStruct((NC * NT, HCAP), jnp.float32),
        mesh=_mesh(),
        scratch_types=[
            pltpu.VMEM((HCAP,), jnp.float32),
            pltpu.VMEM((HROWS, 128), jnp.int32),
        ],
        name="gcn_degree_hist",
        compiler_params=pltpu.CompilerParams(needs_layout_passes=False),
    )
    return k(dst128)



def _agg_body(y_hbm, src_hbm, dst_hbm, out_hbm,
              agg, si, di, buf0, buf1, sem0, sem1):
    cid = lax.axis_index("c")
    sid = lax.axis_index("s")
    r0 = sid * CP_ROWS

    @pl.when(sid < CP_TILES)
    def _zero():
        zeros = jnp.zeros((16,), jnp.float32)

        def zb(j, carry):
            for k in range(8):
                buf0[j, pl.ds(k * 16, 16)] = zeros
            return carry

        lax.fori_loop(0, CHUNK, zb, 0)
        for q in range(CP_ROWS // CHUNK):
            pltpu.sync_copy(buf0, agg.at[pl.ds(r0 + q * CHUNK, CHUNK)])

    row0 = cid * (N_EDGES // NC // CHUNK) + sid * NROW
    plsc.subcore_barrier()

    def outer(g, carry):
        pltpu.sync_copy(src_hbm.at[pl.ds(row0 + g * SUP, SUP)], si)
        pltpu.sync_copy(dst_hbm.at[pl.ds(row0 + g * SUP, SUP)], di)
        pltpu.async_copy(y_hbm.at[si.at[0]], buf0, sem0)

        def pair(p, c2):
            j0 = 2 * p
            pltpu.async_copy(y_hbm.at[si.at[j0 + 1]], buf1, sem1)
            pltpu.make_async_copy(y_hbm.at[si.at[j0]], buf0, sem0).wait()
            pltpu.sync_copy(buf0, agg.at[di.at[j0]], add=True)

            @pl.when(p < SUP // 2 - 1)
            def _next():
                pltpu.async_copy(y_hbm.at[si.at[j0 + 2]], buf0, sem0)

            pltpu.make_async_copy(y_hbm.at[si.at[j0 + 1]], buf1, sem1).wait()
            pltpu.sync_copy(buf1, agg.at[di.at[j0 + 1]], add=True)
            return c2

        lax.fori_loop(0, SUP // 2, pair, 0)
        return carry

    lax.fori_loop(0, NROW // SUP, outer, 0)
    plsc.subcore_barrier()

    @pl.when(sid < CP_TILES)
    def _out():
        pltpu.sync_copy(agg.at[pl.ds(r0, CP_ROWS)],
                        out_hbm.at[pl.ds(cid * N_NODES + r0, CP_ROWS)])


def _agg_call(y, src2, dst2):
    k = pl.kernel(
        _agg_body,
        out_type=jax.ShapeDtypeStruct((NC * N_NODES, HID), jnp.float32),
        mesh=_mesh(),
        scratch_types=[
            pltpu.VMEM_SHARED((N_NODES, HID), jnp.float32),
            pltpu.VMEM((SUP, CHUNK), jnp.int32),
            pltpu.VMEM((SUP, CHUNK), jnp.int32),
            pltpu.VMEM((CHUNK, HID), jnp.float32),
            pltpu.VMEM((CHUNK, HID), jnp.float32),
            pltpu.SemaphoreType.DMA,
            pltpu.SemaphoreType.DMA,
        ],
        name="gcn_scatter_agg",
        compiler_params=pltpu.CompilerParams(needs_layout_passes=False),
    )
    return k(y, src2, dst2)



def _tc1_body(degp_ref, x_ref, w_ref, dis_ref, y_ref):
    deg = jnp.sum(degp_ref[...], axis=0)[:N_NODES]
    dis = lax.rsqrt(deg + 1.0)[:, None]
    dis_ref[...] = dis
    xw = jnp.dot(x_ref[...], w_ref[...], preferred_element_type=jnp.float32)
    y_ref[...] = xw * dis


def _tc1(degp, x, W1):
    return pl.pallas_call(
        _tc1_body,
        out_shape=[
            jax.ShapeDtypeStruct((N_NODES, 1), jnp.float32),
            jax.ShapeDtypeStruct((N_NODES, HID), jnp.float32),
        ],
    )(degp, x, W1)


def _tc2_body(dis_ref, y_ref, agg_ref, b_ref, g_ref, be_ref, w_ref, out_ref):
    dis = dis_ref[...]
    h = agg_ref[0] + agg_ref[1] + y_ref[...]
    h = dis * h + b_ref[...]
    h = h * (g_ref[...] * BN_INV) + be_ref[...]
    h = jnp.maximum(h, 0.0)
    out_ref[...] = jnp.dot(
        h, w_ref[...], preferred_element_type=jnp.float32) * dis


def _tc2(dis2, y1, agg3, b1, g1, be1, W2):
    return pl.pallas_call(
        _tc2_body,
        out_shape=jax.ShapeDtypeStruct((N_NODES, HID), jnp.float32),
    )(dis2, y1, agg3, b1, g1, be1, W2)


def _tc3_body(dis_ref, y_ref, agg_ref, b_ref, g_ref, be_ref,
              cw1_ref, cb1_ref, cw2_ref, cb2_ref, out_ref):
    dis = dis_ref[...]
    h = agg_ref[0] + agg_ref[1] + y_ref[...]
    h = dis * h + b_ref[...]
    h = h * (g_ref[...] * BN_INV) + be_ref[...]
    h = jnp.maximum(h, 0.0)
    c = jnp.dot(h, cw1_ref[...], preferred_element_type=jnp.float32)
    c = jnp.maximum(c + cb1_ref[...], 0.0)
    out_ref[...] = jnp.dot(
        c, cw2_ref[...], preferred_element_type=jnp.float32) + cb2_ref[...]


def _tc3(dis2, y2, agg3, b2, g2, be2, cW1, cb1, cW2, cb2):
    return pl.pallas_call(
        _tc3_body,
        out_shape=jax.ShapeDtypeStruct((N_NODES, OUT_DIM), jnp.float32),
    )(dis2, y2, agg3, b2, g2, be2, cW1, cb1, cW2, cb2)



def kernel(x, edge_index, W1, b1, W2, b2, bn1_g, bn1_b, bn2_g, bn2_b,
           cW1, cb1, cW2, cb2):
    src = edge_index[0].astype(jnp.int32)
    dst = edge_index[1].astype(jnp.int32)
    src2 = src.reshape(-1, CHUNK)
    dst2 = dst.reshape(-1, CHUNK)
    pad = jnp.full((DEG_ROWS * 128 - N_EDGES,), TRASH, jnp.int32)
    dst128 = jnp.concatenate([dst, pad]).reshape(DEG_ROWS, 128)
    degp = _deg_call(dst128)
    dis2, y1 = _tc1(degp, x, W1)
    agg1 = _agg_call(y1, src2, dst2).reshape(2, N_NODES, HID)
    y2 = _tc2(dis2, y1, agg1, b1.reshape(1, -1), bn1_g.reshape(1, -1),
              bn1_b.reshape(1, -1), W2)
    agg2 = _agg_call(y2, src2, dst2).reshape(2, N_NODES, HID)
    out = _tc3(dis2, y2, agg2, b2.reshape(1, -1), bn2_g.reshape(1, -1),
               bn2_b.reshape(1, -1), cW1, cb1.reshape(1, -1), cW2,
               cb2.reshape(1, -1))
    return out

# --- scband reference (transcript-rebuilt; emitter-appended) ---
"""Pipeline reference for scband-gcnmodel-15779709846111 (READ-ONLY COPY).

The authoritative reference and input builder live on the scoring server;
editing this copy changes nothing except your own understanding.
"""

import jax, jax.numpy as jnp
import numpy as np

N_NODES = 10000
IN_DIM = 128
HID = 128
OUT_DIM = 64
N_EDGES = 320000
BN_EPS = 1e-5


def gcn_conv(x, edge_index, W, b, n_nodes):
    # PyG-style GCNConv: add self-loops, symmetric normalization, linear transform,
    # scatter-add aggregation, then bias.
    src = edge_index[0]
    dst = edge_index[1]
    loop = jnp.arange(n_nodes, dtype=edge_index.dtype)
    src = jnp.concatenate([src, loop])
    dst = jnp.concatenate([dst, loop])
    deg = jnp.zeros((n_nodes,), dtype=x.dtype).at[dst].add(1.0)
    deg_inv_sqrt = jnp.where(deg > 0, 1.0 / jnp.sqrt(deg), 0.0)
    norm = deg_inv_sqrt[src] * deg_inv_sqrt[dst]
    xw = x @ W
    msg = jnp.take(xw, src, axis=0) * norm[:, None]
    out = jnp.zeros((n_nodes, W.shape[1]), dtype=x.dtype).at[dst].add(msg)
    return out + b


def bn_eval(h, gamma, beta):
    # BatchNorm1d in eval mode with freshly-initialized running stats
    # (running_mean=0, running_var=1)
    return (h / jnp.sqrt(1.0 + BN_EPS)) * gamma + beta


def setup_inputs(seed: int = 0) -> dict:
    key = jax.random.key(seed)
    ks = jax.random.split(key, 16)
    x = jax.random.normal(ks[0], (N_NODES, IN_DIM), dtype=jnp.float32)
    edge_index = jax.random.randint(ks[1], (2, N_EDGES), 0, N_NODES, dtype=jnp.int64)
    s1 = 1.0 / np.sqrt(IN_DIM)
    s2 = 1.0 / np.sqrt(HID)
    s3 = 1.0 / np.sqrt(HID // 2)
    return {
        "x": x,
        "edge_index": edge_index,
        "W1": jax.random.uniform(ks[2], (IN_DIM, HID), jnp.float32, -s1, s1),
        "b1": jax.random.uniform(ks[3], (HID,), jnp.float32, -s1, s1),
        "W2": jax.random.uniform(ks[4], (HID, HID), jnp.float32, -s2, s2),
        "b2": jax.random.uniform(ks[5], (HID,), jnp.float32, -s2, s2),
        "bn1_g": jnp.ones((HID,), jnp.float32),
        "bn1_b": jnp.zeros((HID,), jnp.float32),
        "bn2_g": jnp.ones((HID,), jnp.float32),
        "bn2_b": jnp.zeros((HID,), jnp.float32),
        "cW1": jax.random.uniform(ks[6], (HID, HID // 2), jnp.float32, -s2, s2),
        "cb1": jax.random.uniform(ks[7], (HID // 2,), jnp.float32, -s2, s2),
        "cW2": jax.random.uniform(ks[8], (HID // 2, OUT_DIM), jnp.float32, -s3, s3),
        "cb2": jax.random.uniform(ks[9], (OUT_DIM,), jnp.float32, -s3, s3),
    }


def reference(x, edge_index, W1, b1, W2, b2, bn1_g, bn1_b, bn2_g, bn2_b, cW1, cb1, cW2, cb2):
    n = x.shape[0]
    h = gcn_conv(x, edge_index, W1, b1, n)
    h = bn_eval(h, bn1_g, bn1_b)
    h = jax.nn.relu(h)
    # dropout: identity in eval mode
    h = gcn_conv(h, edge_index, W2, b2, n)
    h = bn_eval(h, bn2_g, bn2_b)
    h = jax.nn.relu(h)
    # batch is None -> no global pooling
    h = h @ cW1 + cb1
    h = jax.nn.relu(h)
    h = h @ cW2 + cb2
    return h

if __name__ == "__main__":
    import jax
    _d = setup_inputs()
    print(jax.jit(kernel)(*tuple(_d.values())))

</pallas_src>

<mosaic_0001>
#map = affine_map<(d0, d1) -> (0, 0)>
module attributes {stable_mosaic.version = 14 : i64} {
  func.func @gcn_degree_hist(%arg0: i32, %arg1: i32, %arg2: memref<2560x128xi32, #tpu.memory_space<hbm>>, %arg3: memref<32x10240xf32, #tpu.memory_space<hbm>>, %arg4: memref<10240xf32, #tpu.memory_space<vmem>>, %arg5: memref<80x128xi32, #tpu.memory_space<vmem>>) attributes {dimension_semantics = [#tpu.dimension_semantics<core_parallel>, #tpu.dimension_semantics<subcore_parallel>], iteration_bounds = array<i64: 2, 16>, scalar_prefetch = 0 : i64, scratch_operands = 2 : i64, tpu.core_type = #tpu.core_type<sc_vector_subcore>, window_params = [{transform_indices = #map}, {transform_indices = #map}]} {
    %mul3A = arith.constant 16 : i32
    %mul3A_0 = arith.muli %arg0, %mul3A : i32
    %add3A = arith.addi %mul3A_0, %arg1 : i32
    %mul3A_1 = arith.constant 80 : i32
    %mul3A_2 = arith.muli %add3A, %mul3A_1 : i32
    "tpu.region"() ({
      %run_scoped3A = tpu.sem_alloc : memref<!tpu.dma_semaphore, #tpu.memory_space<semaphore_mem>>
      %dma_start3A = arith.constant 0 : i32
      %dma_start3A_17 = tpu.memref_slice %arg2[%mul3A_2, %dma_start3A] : memref<2560x128xi32, #tpu.memory_space<hbm>> -> memref<80x128xi32, #tpu.memory_space<hbm>>
      %dma_start3A_18 = arith.constant 0 : i32
      %dma_start3A_19 = tpu.memref_slice %arg2[%mul3A_2, %dma_start3A_18] : memref<2560x128xi32, #tpu.memory_space<hbm>> -> memref<80x128xi32, #tpu.memory_space<hbm>>
      tpu.enqueue_dma source(%dma_start3A_19 : memref<80x128xi32, #tpu.memory_space<hbm>>) target(%arg5 : memref<80x128xi32, #tpu.memory_space<vmem>>) target_semaphore(%run_scoped3A : memref<!tpu.dma_semaphore, #tpu.memory_space<semaphore_mem>>)
      %dma_wait3A = arith.constant 0 : i32
      %dma_wait3A_20 = tpu.memref_slice %arg2[%mul3A_2, %dma_wait3A] : memref<2560x128xi32, #tpu.memory_space<hbm>> -> memref<80x128xi32, #tpu.memory_space<hbm>>
      %dma_wait3A_21 = arith.constant 0 : i32
      %dma_wait3A_22 = tpu.memref_slice %arg2[%mul3A_2, %dma_wait3A_21] : memref<2560x128xi32, #tpu.memory_space<hbm>> -> memref<80x128xi32, #tpu.memory_space<hbm>>
      tpu.wait_dma2 semaphore(%run_scoped3A : memref<!tpu.dma_semaphore, #tpu.memory_space<semaphore_mem>>) src(%dma_wait3A_22 : memref<80x128xi32, #tpu.memory_space<hbm>>) dst(%arg5 : memref<80x128xi32, #tpu.memory_space<vmem>>)
      tpu.yield
    }) : () -> ()
    %broadcast_in_dim3A = arith.constant 0.000000e+00 : f32
    %broadcast_in_dim3A_3 = vector.broadcast %broadcast_in_dim3A : f32 to vector<16xf32>
    %broadcast_in_dim3A_4 = arith.constant 1.000000e+00 : f32
    %broadcast_in_dim3A_5 = vector.broadcast %broadcast_in_dim3A_4 : f32 to vector<16xf32>
    %scan3A = arith.constant 0 : i32
    %scan3A_6 = arith.constant 0 : i32
    %scan3A_7 = arith.constant 640 : i32
    %scan3A_8 = arith.addi %scan3A_6, %scan3A_7 : i32
    %scan3A_9 = arith.constant 1 : i32
    scf.for %scan3A_17 = %scan3A_6 to %scan3A_8 step %scan3A_9  : i32 {
      %mul3A_18 = arith.constant 16 : i32
      %mul3A_19 = arith.muli %scan3A_17, %mul3A_18 : i32
      %swap3A = arith.index_cast %mul3A_19 : i32 to index
      %swap3A_20 = tpu.vector_load %arg4[%swap3A] {strides = array<i32>} : memref<10240xf32, #tpu.memory_space<vmem>>, vector<16xf32>,
      tpu.vector_store %arg4[%swap3A], %broadcast_in_dim3A_3 {strides = array<i32>} : memref<10240xf32, #tpu.memory_space<vmem>>, vector<16xf32>,
    }
    %scan3A_10 = arith.constant 640 : i32
    %scan3A_11 = arith.constant 0 : i32
    %scan3A_12 = arith.constant 0 : i32
    %scan3A_13 = arith.constant 80 : i32
    %scan3A_14 = arith.addi %scan3A_12, %scan3A_13 : i32
    %scan3A_15 = arith.constant 1 : i32
    scf.for %scan3A_17 = %scan3A_12 to %scan3A_14 step %scan3A_15  : i32 {
      %get3A = arith.index_cast %scan3A_17 : i32 to index
      %get3A_18 = arith.constant 0 : index
      %get3A_19 = tpu.vector_load %arg5[%get3A, %get3A_18] {strides = array<i32>} : memref<80x128xi32, #tpu.memory_space<vmem>>, vector<16xi32>,
      tpu.vector_store_idx %arg4[%get3A_19], %broadcast_in_dim3A_5 {add = true} : memref<10240xf32, #tpu.memory_space<vmem>>[vector<16xi32>], vector<16xf32>,
      %get3A_20 = arith.index_cast %scan3A_17 : i32 to index
      %get3A_21 = arith.constant 16 : index
      %get3A_22 = tpu.vector_load %arg5[%get3A_20, %get3A_21] {strides = array<i32>} : memref<80x128xi32, #tpu.memory_space<vmem>>, vector<16xi32>,
      tpu.vector_store_idx %arg4[%get3A_22], %broadcast_in_dim3A_5 {add = true} : memref<10240xf32, #tpu.memory_space<vmem>>[vector<16xi32>], vector<16xf32>,
      %get3A_23 = arith.index_cast %scan3A_17 : i32 to index
      %get3A_24 = arith.constant 32 : index
      %get3A_25 = tpu.vector_load %arg5[%get3A_23, %get3A_24] {strides = array<i32>} : memref<80x128xi32, #tpu.memory_space<vmem>>, vector<16xi32>,
      tpu.vector_store_idx %arg4[%get3A_25], %broadcast_in_dim3A_5 {add = true} : memref<10240xf32, #tpu.memory_space<vmem>>[vector<16xi32>], vector<16xf32>,
      %get3A_26 = arith.index_cast %scan3A_17 : i32 to index
      %get3A_27 = arith.constant 48 : index
      %get3A_28 = tpu.vector_load %arg5[%get3A_26, %get3A_27] {strides = array<i32>} : memref<80x128xi32, #tpu.memory_space<vmem>>, vector<16xi32>,
      tpu.vector_store_idx %arg4[%get3A_28], %broadcast_in_dim3A_5 {add = true} : memref<10240xf32, #tpu.memory_space<vmem>>[vector<16xi32>], vector<16xf32>,
      %get3A_29 = arith.index_cast %scan3A_17 : i32 to index
      %get3A_30 = arith.constant 64 : index
      %get3A_31 = tpu.vector_load %arg5[%get3A_29, %get3A_30] {strides = array<i32>} : memref<80x128xi32, #tpu.memory_space<vmem>>, vector<16xi32>,
      tpu.vector_store_idx %arg4[%get3A_31], %broadcast_in_dim3A_5 {add = true} : memref<10240xf32, #tpu.memory_space<vmem>>[vector<16xi32>], vector<16xf32>,
      %get3A_32 = arith.index_cast %scan3A_17 : i32 to index
      %get3A_33 = arith.constant 80 : index
      %get3A_34 = tpu.vector_load %arg5[%get3A_32, %get3A_33] {strides = array<i32>} : memref<80x128xi32, #tpu.memory_space<vmem>>, vector<16xi32>,
      tpu.vector_store_idx %arg4[%get3A_34], %broadcast_in_dim3A_5 {add = true} : memref<10240xf32, #tpu.memory_space<vmem>>[vector<16xi32>], vector<16xf32>,
      %get3A_35 = arith.index_cast %scan3A_17 : i32 to index
      %get3A_36 = arith.constant 96 : index
      %get3A_37 = tpu.vector_load %arg5[%get3A_35, %get3A_36] {strides = array<i32>} : memref<80x128xi32, #tpu.memory_space<vmem>>, vector<16xi32>,
      tpu.vector_store_idx %arg4[%get3A_37], %broadcast_in_dim3A_5 {add = true} : memref<10240xf32, #tpu.memory_space<vmem>>[vector<16xi32>], vector<16xf32>,
      %get3A_38 = arith.index_cast %scan3A_17 : i32 to index
      %get3A_39 = arith.constant 112 : index
      %get3A_40 = tpu.vector_load %arg5[%get3A_38, %get3A_39] {strides = array<i32>} : memref<80x128xi32, #tpu.memory_space<vmem>>, vector<16xi32>,
      tpu.vector_store_idx %arg4[%get3A_40], %broadcast_in_dim3A_5 {add = true} : memref<10240xf32, #tpu.memory_space<vmem>>[vector<16xi32>], vector<16xf32>,
    }
    %scan3A_16 = arith.constant 80 : i32
    "tpu.region"() ({
      %run_scoped3A = tpu.sem_alloc : memref<!tpu.dma_semaphore, #tpu.memory_space<semaphore_mem>>
      %dma_start3A = arith.constant 0 : i32
      %dma_start3A_17 = tpu.memref_slice %arg3[%add3A, %dma_start3A] : memref<32x10240xf32, #tpu.memory_space<hbm>> -> memref<1x10240xf32, #tpu.memory_space<hbm>>
      %dma_start3A_18 = tpu.memref_squeeze %dma_start3A_17 : memref<1x10240xf32, #tpu.memory_space<hbm>> -> memref<10240xf32, #tpu.memory_space<hbm>>
      %dma_start3A_19 = arith.constant 0 : i32
      %dma_start3A_20 = tpu.memref_slice %arg3[%add3A, %dma_start3A_19] : memref<32x10240xf32, #tpu.memory_space<hbm>> -> memref<1x10240xf32, #tpu.memory_space<hbm>>
      %dma_start3A_21 = tpu.memref_squeeze %dma_start3A_20 : memref<1x10240xf32, #tpu.memory_space<hbm>> -> memref<10240xf32, #tpu.memory_space<hbm>>
      tpu.enqueue_dma source(%arg4 : memref<10240xf32, #tpu.memory_space<vmem>>) target(%dma_start3A_21 : memref<10240xf32, #tpu.memory_space<hbm>>) target_semaphore(%run_scoped3A : memref<!tpu.dma_semaphore, #tpu.memory_space<semaphore_mem>>)
      %dma_wait3A = arith.constant 0 : i32
      %dma_wait3A_22 = tpu.memref_slice %arg3[%add3A, %dma_wait3A] : memref<32x10240xf32, #tpu.memory_space<hbm>> -> memref<1x10240xf32, #tpu.memory_space<hbm>>
      %dma_wait3A_23 = tpu.memref_squeeze %dma_wait3A_22 : memref<1x10240xf32, #tpu.memory_space<hbm>> -> memref<10240xf32, #tpu.memory_space<hbm>>
      %dma_wait3A_24 = arith.constant 0 : i32
      %dma_wait3A_25 = tpu.memref_slice %arg3[%add3A, %dma_wait3A_24] : memref<32x10240xf32, #tpu.memory_space<hbm>> -> memref<1x10240xf32, #tpu.memory_space<hbm>>
      %dma_wait3A_26 = tpu.memref_squeeze %dma_wait3A_25 : memref<1x10240xf32, #tpu.memory_space<hbm>> -> memref<10240xf32, #tpu.memory_space<hbm>>
      tpu.wait_dma2 semaphore(%run_scoped3A : memref<!tpu.dma_semaphore, #tpu.memory_space<semaphore_mem>>) src(%arg4 : memref<10240xf32, #tpu.memory_space<vmem>>) dst(%dma_wait3A_26 : memref<10240xf32, #tpu.memory_space<hbm>>)
      tpu.yield
    }) : () -> ()
    return
  }
}

#map = affine_map<(d0, d1) -> (0, 0)>
module attributes {stable_mosaic.version = 14 : i64} {
  func.func @gcn_scatter_agg(%arg0: i32, %arg1: i32, %arg2: memref<10000x128xf32, #tpu.memory_space<hbm>>, %arg3: memref<2560x125xi32, #tpu.memory_space<hbm>>, %arg4: memref<2560x125xi32, #tpu.memory_space<hbm>>, %arg5: memref<20000x128xf32, #tpu.memory_space<hbm>>, %arg6: memref<10000x128xf32, #tpu.memory_space<vmem_shared>>, %arg7: memref<40x125xi32, #tpu.memory_space<vmem>>, %arg8: memref<40x125xi32, #tpu.memory_space<vmem>>, %arg9: memref<125x128xf32, #tpu.memory_space<vmem>>, %arg10: memref<125x128xf32, #tpu.memory_space<vmem>>, %arg11: memref<!tpu.dma_semaphore, #tpu.memory_space<semaphore_mem>>, %arg12: memref<!tpu.dma_semaphore, #tpu.memory_space<semaphore_mem>>) attributes {dimension_semantics = [#tpu.dimension_semantics<core_parallel>, #tpu.dimension_semantics<subcore_parallel>], iteration_bounds = array<i64: 2, 16>, scalar_prefetch = 0 : i64, scratch_operands = 7 : i64, tpu.core_type = #tpu.core_type<sc_vector_subcore>, window_params = [{transform_indices = #map}, {transform_indices = #map}, {transform_indices = #map}, {transform_indices = #map}]} {
    %mul3A = arith.constant 1000 : i32
    %mul3A_0 = arith.muli %arg1, %mul3A : i32
    %lt3A = arith.constant 10 : i32
    %lt3A_1 = arith.cmpi slt, %arg1, %lt3A : i32
    %convert_element_type3A = arith.extui %lt3A_1 : i1 to i32
    %cond3A = arith.constant 0 : i32
    %cond3A_2 = arith.cmpi ne, %convert_element_type3A, %cond3A : i32
    scf.if %cond3A_2 {
      %broadcast_in_dim3A = arith.constant 0.000000e+00 : f32
      %broadcast_in_dim3A_18 = vector.broadcast %broadcast_in_dim3A : f32 to vector<16xf32>
      %scan3A_19 = arith.constant 0 : i32
      %scan3A_20 = arith.constant 0 : i32
      %scan3A_21 = arith.constant 125 : i32
      %scan3A_22 = arith.addi %scan3A_20, %scan3A_21 : i32
      %scan3A_23 = arith.constant 1 : i32
      scf.for %scan3A_41 = %scan3A_20 to %scan3A_22 step %scan3A_23  : i32 {
        %swap3A = arith.index_cast %scan3A_41 : i32 to index
        %swap3A_42 = arith.constant 0 : index
        %swap3A_43 = tpu.vector_load %arg9[%swap3A, %swap3A_42] {strides = array<i32>} : memref<125x128xf32, #tpu.memory_space<vmem>>, vector<16xf32>,
        tpu.vector_store %arg9[%swap3A, %swap3A_42], %broadcast_in_dim3A_18 {strides = array<i32>} : memref<125x128xf32, #tpu.memory_space<vmem>>, vector<16xf32>,
        %swap3A_44 = arith.index_cast %scan3A_41 : i32 to index
        %swap3A_45 = arith.constant 16 : index
        %swap3A_46 = tpu.vector_load %arg9[%swap3A_44, %swap3A_45] {strides = array<i32>} : memref<125x128xf32, #tpu.memory_space<vmem>>, vector<16xf32>,
        tpu.vector_store %arg9[%swap3A_44, %swap3A_45], %broadcast_in_dim3A_18 {strides = array<i32>} : memref<125x128xf32, #tpu.memory_space<vmem>>, vector<16xf32>,
        %swap3A_47 = arith.index_cast %scan3A_41 : i32 to index
        %swap3A_48 = arith.constant 32 : index
        %swap3A_49 = tpu.vector_load %arg9[%swap3A_47, %swap3A_48] {strides = array<i32>} : memref<125x128xf32, #tpu.memory_space<vmem>>, vector<16xf32>,
        tpu.vector_store %arg9[%swap3A_47, %swap3A_48], %broadcast_in_dim3A_18 {strides = array<i32>} : memref<125x128xf32, #tpu.memory_space<vmem>>, vector<16xf32>,
        %swap3A_50 = arith.index_cast %scan3A_41 : i32 to index
        %swap3A_51 = arith.constant 48 : index
        %swap3A_52 = tpu.vector_load %arg9[%swap3A_50, %swap3A_51] {strides = array<i32>} : memref<125x128xf32, #tpu.memory_space<vmem>>, vector<16xf32>,
        tpu.vector_store %arg9[%swap3A_50, %swap3A_51], %broadcast_in_dim3A_18 {strides = array<i32>} : memref<125x128xf32, #tpu.memory_space<vmem>>, vector<16xf32>,
        %swap3A_53 = arith.index_cast %scan3A_41 : i32 to index
        %swap3A_54 = arith.constant 64 : index
        %swap3A_55 = tpu.vector_load %arg9[%swap3A_53, %swap3A_54] {strides = array<i32>} : memref<125x128xf32, #tpu.memory_space<vmem>>, vector<16xf32>,
        tpu.vector_store %arg9[%swap3A_53, %swap3A_54], %broadcast_in_dim3A_18 {strides = array<i32>} : memref<125x128xf32, #tpu.memory_space<vmem>>, vector<16xf32>,
        %swap3A_56 = arith.index_cast %scan3A_41 : i32 to index
        %swap3A_57 = arith.constant 80 : index
        %swap3A_58 = tpu.vector_load %arg9[%swap3A_56, %swap3A_57] {strides = array<i32>} : memref<125x128xf32, #tpu.memory_space<vmem>>, vector<16xf32>,
        tpu.vector_store %arg9[%swap3A_56, %swap3A_57], %broadcast_in_dim3A_18 {strides = array<i32>} : memref<125x128xf32, #tpu.memory_space<vmem>>, vector<16xf32>,
        %swap3A_59 = arith.index_cast %scan3A_41 : i32 to index
        %swap3A_60 = arith.constant 96 : index
        %swap3A_61 = tpu.vector_load %arg9[%swap3A_59, %swap3A_60] {strides = array<i32>} : memref<125x128xf32, #tpu.memory_space<vmem>>, vector<16xf32>,
        tpu.vector_store %arg9[%swap3A_59, %swap3A_60], %broadcast_in_dim3A_18 {strides = array<i32>} : memref<125x128xf32, #tpu.memory_space<vmem>>, vector<16xf32>,
        %swap3A_62 = arith.index_cast %scan3A_41 : i32 to index
        %swap3A_63 = arith.constant 112 : index
        %swap3A_64 = tpu.vector_load %arg9[%swap3A_62, %swap3A_63] {strides = array<i32>} : memref<125x128xf32, #tpu.memory_space<vmem>>, vector<16xf32>,
        tpu.vector_store %arg9[%swap3A_62, %swap3A_63], %broadcast_in_dim3A_18 {strides = array<i32>} : memref<125x128xf32, #tpu.memory_space<vmem>>, vector<16xf32>,
      }
      %scan3A_24 = arith.constant 125 : i32
      %add3A_25 = arith.constant 0 : i32
      %add3A_26 = arith.addi %mul3A_0, %add3A_25 : i32
      "tpu.region"() ({
        %run_scoped3A = tpu.sem_alloc : memref<!tpu.dma_semaphore, #tpu.memory_space<semaphore_mem>>
        %dma_start3A = arith.constant 0 : i32
        %dma_start3A_41 = tpu.memref_slice %arg6[%add3A_26, %dma_start3A] : memref<10000x128xf32, #tpu.memory_space<vmem_shared>> -> memref<125x128xf32, #tpu.memory_space<vmem_shared>>
        %dma_start3A_42 = arith.constant 0 : i32
        %dma_start3A_43 = tpu.memref_slice %arg6[%add3A_26, %dma_start3A_42] : memref<10000x128xf32, #tpu.memory_space<vmem_shared>> -> memref<125x128xf32, #tpu.memory_space<vmem_shared>>
        tpu.enqueue_dma source(%arg9 : memref<125x128xf32, #tpu.memory_space<vmem>>) target(%dma_start3A_43 : memref<125x128xf32, #tpu.memory_space<vmem_shared>>) target_semaphore(%run_scoped3A : memref<!tpu.dma_semaphore, #tpu.memory_space<semaphore_mem>>)
        %dma_wait3A = arith.constant 0 : i32
        %dma_wait3A_44 = tpu.memref_slice %arg6[%add3A_26, %dma_wait3A] : memref<10000x128xf32, #tpu.memory_space<vmem_shared>> -> memref<125x128xf32, #tpu.memory_space<vmem_shared>>
        %dma_wait3A_45 = arith.constant 0 : i32
        %dma_wait3A_46 = tpu.memref_slice %arg6[%add3A_26, %dma_wait3A_45] : memref<10000x128xf32, #tpu.memory_space<vmem_shared>> -> memref<125x128xf32, #tpu.memory_space<vmem_shared>>
        tpu.wait_dma2 semaphore(%run_scoped3A : memref<!tpu.dma_semaphore, #tpu.memory_space<semaphore_mem>>) src(%arg9 : memref<125x128xf32, #tpu.memory_space<vmem>>) dst(%dma_wait3A_46 : memref<125x128xf32, #tpu.memory_space<vmem_shared>>)
        tpu.yield
      }) : () -> ()
      %add3A_27 = arith.constant 125 : i32
      %add3A_28 = arith.addi %mul3A_0, %add3A_27 : i32
      "tpu.region"() ({
        %run_scoped3A = tpu.sem_alloc : memref<!tpu.dma_semaphore, #tpu.memory_space<semaphore_mem>>
        %dma_start3A = arith.constant 0 : i32
        %dma_start3A_41 = tpu.memref_slice %arg6[%add3A_28, %dma_start3A] : memref<10000x128xf32, #tpu.memory_space<vmem_shared>> -> memref<125x128xf32, #tpu.memory_space<vmem_shared>>
        %dma_start3A_42 = arith.constant 0 : i32
        %dma_start3A_43 = tpu.memref_slice %arg6[%add3A_28, %dma_start3A_42] : memref<10000x128xf32, #tpu.memory_space<vmem_shared>> -> memref<125x128xf32, #tpu.memory_space<vmem_shared>>
        tpu.enqueue_dma source(%arg9 : memref<125x128xf32, #tpu.memory_space<vmem>>) target(%dma_start3A_43 : memref<125x128xf32, #tpu.memory_space<vmem_shared>>) target_semaphore(%run_scoped3A : memref<!tpu.dma_semaphore, #tpu.memory_space<semaphore_mem>>)
        %dma_wait3A = arith.constant 0 : i32
        %dma_wait3A_44 = tpu.memref_slice %arg6[%add3A_28, %dma_wait3A] : memref<10000x128xf32, #tpu.memory_space<vmem_shared>> -> memref<125x128xf32, #tpu.memory_space<vmem_shared>>
        %dma_wait3A_45 = arith.constant 0 : i32
        %dma_wait3A_46 = tpu.memref_slice %arg6[%add3A_28, %dma_wait3A_45] : memref<10000x128xf32, #tpu.memory_space<vmem_shared>> -> memref<125x128xf32, #tpu.memory_space<vmem_shared>>
        tpu.wait_dma2 semaphore(%run_scoped3A : memref<!tpu.dma_semaphore, #tpu.memory_space<semaphore_mem>>) src(%arg9 : memref<125x128xf32, #tpu.memory_space<vmem>>) dst(%dma_wait3A_46 : memref<125x128xf32, #tpu.memory_space<vmem_shared>>)
        tpu.yield
      }) : () -> ()
      %add3A_29 = arith.constant 250 : i32
      %add3A_30 = arith.addi %mul3A_0, %add3A_29 : i32
      "tpu.region"() ({
        %run_scoped3A = tpu.sem_alloc : memref<!tpu.dma_semaphore, #tpu.memory_space<semaphore_mem>>
        %dma_start3A = arith.constant 0 : i32
        %dma_start3A_41 = tpu.memref_slice %arg6[%add3A_30, %dma_start3A] : memref<10000x128xf32, #tpu.memory_space<vmem_shared>> -> memref<125x128xf32, #tpu.memory_space<vmem_shared>>
        %dma_start3A_42 = arith.constant 0 : i32
        %dma_start3A_43 = tpu.memref_slice %arg6[%add3A_30, %dma_start3A_42] : memref<10000x128xf32, #tpu.memory_space<vmem_shared>> -> memref<125x128xf32, #tpu.memory_space<vmem_shared>>
        tpu.enqueue_dma source(%arg9 : memref<125x128xf32, #tpu.memory_space<vmem>>) target(%dma_start3A_43 : memref<125x128xf32, #tpu.memory_space<vmem_shared>>) target_semaphore(%run_scoped3A : memref<!tpu.dma_semaphore, #tpu.memory_space<semaphore_mem>>)
        %dma_wait3A = arith.constant 0 : i32
        %dma_wait3A_44 = tpu.memref_slice %arg6[%add3A_30, %dma_wait3A] : memref<10000x128xf32, #tpu.memory_space<vmem_shared>> -> memref<125x128xf32, #tpu.memory_space<vmem_shared>>
        %dma_wait3A_45 = arith.constant 0 : i32
        %dma_wait3A_46 = tpu.memref_slice %arg6[%add3A_30, %dma_wait3A_45] : memref<10000x128xf32, #tpu.memory_space<vmem_shared>> -> memref<125x128xf32, #tpu.memory_space<vmem_shared>>
        tpu.wait_dma2 semaphore(%run_scoped3A : memref<!tpu.dma_semaphore, #tpu.memory_space<semaphore_mem>>) src(%arg9 : memref<125x128xf32, #tpu.memory_space<vmem>>) dst(%dma_wait3A_46 : memref<125x128xf32, #tpu.memory_space<vmem_shared>>)
        tpu.yield
      }) : () -> ()
      %add3A_31 = arith.constant 375 : i32
      %add3A_32 = arith.addi %mul3A_0, %add3A_31 : i32
      "tpu.region"() ({
        %run_scoped3A = tpu.sem_alloc : memref<!tpu.dma_semaphore, #tpu.memory_space<semaphore_mem>>
        %dma_start3A = arith.constant 0 : i32
        %dma_start3A_41 = tpu.memref_slice %arg6[%add3A_32, %dma_start3A] : memref<10000x128xf32, #tpu.memory_space<vmem_shared>> -> memref<125x128xf32, #tpu.memory_space<vmem_shared>>
        %dma_start3A_42 = arith.constant 0 : i32
        %dma_start3A_43 = tpu.memref_slice %arg6[%add3A_32, %dma_start3A_42] : memref<10000x128xf32, #tpu.memory_space<vmem_shared>> -> memref<125x128xf32, #tpu.memory_space<vmem_shared>>
        tpu.enqueue_dma source(%arg9 : memref<125x128xf32, #tpu.memory_space<vmem>>) target(%dma_start3A_43 : memref<125x128xf32, #tpu.memory_space<vmem_shared>>) target_semaphore(%run_scoped3A : memref<!tpu.dma_semaphore, #tpu.memory_space<semaphore_mem>>)
        %dma_wait3A = arith.constant 0 : i32
        %dma_wait3A_44 = tpu.memref_slice %arg6[%add3A_32, %dma_wait3A] : memref<10000x128xf32, #tpu.memory_space<vmem_shared>> -> memref<125x128xf32, #tpu.memory_space<vmem_shared>>
        %dma_wait3A_45 = arith.constant 0 : i32
        %dma_wait3A_46 = tpu.memref_slice %arg6[%add3A_32, %dma_wait3A_45] : memref<10000x128xf32, #tpu.memory_space<vmem_shared>> -> memref<125x128xf32, #tpu.memory_space<vmem_shared>>
        tpu.wait_dma2 semaphore(%run_scoped3A : memref<!tpu.dma_semaphore, #tpu.memory_space<semaphore_mem>>) src(%arg9 : memref<125x128xf32, #tpu.memory_space<vmem>>) dst(%dma_wait3A_46 : memref<125x128xf32, #tpu.memory_space<vmem_shared>>)
        tpu.yield
      }) : () -> ()
      %add3A_33 = arith.constant 500 : i32
      %add3A_34 = arith.addi %mul3A_0, %add3A_33 : i32
      "tpu.region"() ({
        %run_scoped3A = tpu.sem_alloc : memref<!tpu.dma_semaphore, #tpu.memory_space<semaphore_mem>>
        %dma_start3A = arith.constant 0 : i32
        %dma_start3A_41 = tpu.memref_slice %arg6[%add3A_34, %dma_start3A] : memref<10000x128xf32, #tpu.memory_space<vmem_shared>> -> memref<125x128xf32, #tpu.memory_space<vmem_shared>>
        %dma_start3A_42 = arith.constant 0 : i32
        %dma_start3A_43 = tpu.memref_slice %arg6[%add3A_34, %dma_start3A_42] : memref<10000x128xf32, #tpu.memory_space<vmem_shared>> -> memref<125x128xf32, #tpu.memory_space<vmem_shared>>
        tpu.enqueue_dma source(%arg9 : memref<125x128xf32, #tpu.memory_space<vmem>>) target(%dma_start3A_43 : memref<125x128xf32, #tpu.memory_space<vmem_shared>>) target_semaphore(%run_scoped3A : memref<!tpu.dma_semaphore, #tpu.memory_space<semaphore_mem>>)
        %dma_wait3A = arith.constant 0 : i32
        %dma_wait3A_44 = tpu.memref_slice %arg6[%add3A_34, %dma_wait3A] : memref<10000x128xf32, #tpu.memory_space<vmem_shared>> -> memref<125x128xf32, #tpu.memory_space<vmem_shared>>
        %dma_wait3A_45 = arith.constant 0 : i32
        %dma_wait3A_46 = tpu.memref_slice %arg6[%add3A_34, %dma_wait3A_45] : memref<10000x128xf32, #tpu.memory_space<vmem_shared>> -> memref<125x128xf32, #tpu.memory_space<vmem_shared>>
        tpu.wait_dma2 semaphore(%run_scoped3A : memref<!tpu.dma_semaphore, #tpu.memory_space<semaphore_mem>>) src(%arg9 : memref<125x128xf32, #tpu.memory_space<vmem>>) dst(%dma_wait3A_46 : memref<125x128xf32, #tpu.memory_space<vmem_shared>>)
        tpu.yield
      }) : () -> ()
      %add3A_35 = arith.constant 625 : i32
      %add3A_36 = arith.addi %mul3A_0, %add3A_35 : i32
      "tpu.region"() ({
        %run_scoped3A = tpu.sem_alloc : memref<!tpu.dma_semaphore, #tpu.memory_space<semaphore_mem>>
        %dma_start3A = arith.constant 0 : i32
        %dma_start3A_41 = tpu.memref_slice %arg6[%add3A_36, %dma_start3A] : memref<10000x128xf32, #tpu.memory_space<vmem_shared>> -> memref<125x128xf32, #tpu.memory_space<vmem_shared>>
        %dma_start3A_42 = arith.constant 0 : i32
        %dma_start3A_43 = tpu.memref_slice %arg6[%add3A_36, %dma_start3A_42] : memref<10000x128xf32, #tpu.memory_space<vmem_shared>> -> memref<125x128xf32, #tpu.memory_space<vmem_shared>>
        tpu.enqueue_dma source(%arg9 : memref<125x128xf32, #tpu.memory_space<vmem>>) target(%dma_start3A_43 : memref<125x128xf32, #tpu.memory_space<vmem_shared>>) target_semaphore(%run_scoped3A : memref<!tpu.dma_semaphore, #tpu.memory_space<semaphore_mem>>)
        %dma_wait3A = arith.constant 0 : i32
        %dma_wait3A_44 = tpu.memref_slice %arg6[%add3A_36, %dma_wait3A] : memref<10000x128xf32, #tpu.memory_space<vmem_shared>> -> memref<125x128xf32, #tpu.memory_space<vmem_shared>>
        %dma_wait3A_45 = arith.constant 0 : i32
        %dma_wait3A_46 = tpu.memref_slice %arg6[%add3A_36, %dma_wait3A_45] : memref<10000x128xf32, #tpu.memory_space<vmem_shared>> -> memref<125x128xf32, #tpu.memory_space<vmem_shared>>
        tpu.wait_dma2 semaphore(%run_scoped3A : memref<!tpu.dma_semaphore, #tpu.memory_space<semaphore_mem>>) src(%arg9 : memref<125x128xf32, #tpu.memory_space<vmem>>) dst(%dma_wait3A_46 : memref<125x128xf32, #tpu.memory_space<vmem_shared>>)
        tpu.yield
      }) : () -> ()
      %add3A_37 = arith.constant 750 : i32
      %add3A_38 = arith.addi %mul3A_0, %add3A_37 : i32
      "tpu.region"() ({
        %run_scoped3A = tpu.sem_alloc : memref<!tpu.dma_semaphore, #tpu.memory_space<semaphore_mem>>
        %dma_start3A = arith.constant 0 : i32
        %dma_start3A_41 = tpu.memref_slice %arg6[%add3A_38, %dma_start3A] : memref<10000x128xf32, #tpu.memory_space<vmem_shared>> -> memref<125x128xf32, #tpu.memory_space<vmem_shared>>
        %dma_start3A_42 = arith.constant 0 : i32
        %dma_start3A_43 = tpu.memref_slice %arg6[%add3A_38, %dma_start3A_42] : memref<10000x128xf32, #tpu.memory_space<vmem_shared>> -> memref<125x128xf32, #tpu.memory_space<vmem_shared>>
        tpu.enqueue_dma source(%arg9 : memref<125x128xf32, #tpu.memory_space<vmem>>) target(%dma_start3A_43 : memref<125x128xf32, #tpu.memory_space<vmem_shared>>) target_semaphore(%run_scoped3A : memref<!tpu.dma_semaphore, #tpu.memory_space<semaphore_mem>>)
        %dma_wait3A = arith.constant 0 : i32
        %dma_wait3A_44 = tpu.memref_slice %arg6[%add3A_38, %dma_wait3A] : memref<10000x128xf32, #tpu.memory_space<vmem_shared>> -> memref<125x128xf32, #tpu.memory_space<vmem_shared>>
        %dma_wait3A_45 = arith.constant 0 : i32
        %dma_wait3A_46 = tpu.memref_slice %arg6[%add3A_38, %dma_wait3A_45] : memref<10000x128xf32, #tpu.memory_space<vmem_shared>> -> memref<125x128xf32, #tpu.memory_space<vmem_shared>>
        tpu.wait_dma2 semaphore(%run_scoped3A : memref<!tpu.dma_semaphore, #tpu.memory_space<semaphore_mem>>) src(%arg9 : memref<125x128xf32, #tpu.memory_space<vmem>>) dst(%dma_wait3A_46 : memref<125x128xf32, #tpu.memory_space<vmem_shared>>)
        tpu.yield
      }) : () -> ()
      %add3A_39 = arith.constant 875 : i32
      %add3A_40 = arith.addi %mul3A_0, %add3A_39 : i32
      "tpu.region"() ({
        %run_scoped3A = tpu.sem_alloc : memref<!tpu.dma_semaphore, #tpu.memory_space<semaphore_mem>>
        %dma_start3A = arith.constant 0 : i32
        %dma_start3A_41 = tpu.memref_slice %arg6[%add3A_40, %dma_start3A] : memref<10000x128xf32, #tpu.memory_space<vmem_shared>> -> memref<125x128xf32, #tpu.memory_space<vmem_shared>>
        %dma_start3A_42 = arith.constant 0 : i32
        %dma_start3A_43 = tpu.memref_slice %arg6[%add3A_40, %dma_start3A_42] : memref<10000x128xf32, #tpu.memory_space<vmem_shared>> -> memref<125x128xf32, #tpu.memory_space<vmem_shared>>
        tpu.enqueue_dma source(%arg9 : memref<125x128xf32, #tpu.memory_space<vmem>>) target(%dma_start3A_43 : memref<125x128xf32, #tpu.memory_space<vmem_shared>>) target_semaphore(%run_scoped3A : memref<!tpu.dma_semaphore, #tpu.memory_space<semaphore_mem>>)
        %dma_wait3A = arith.constant 0 : i32
        %dma_wait3A_44 = tpu.memref_slice %arg6[%add3A_40, %dma_wait3A] : memref<10000x128xf32, #tpu.memory_space<vmem_shared>> -> memref<125x128xf32, #tpu.memory_space<vmem_shared>>
        %dma_wait3A_45 = arith.constant 0 : i32
        %dma_wait3A_46 = tpu.memref_slice %arg6[%add3A_40, %dma_wait3A_45] : memref<10000x128xf32, #tpu.memory_space<vmem_shared>> -> memref<125x128xf32, #tpu.memory_space<vmem_shared>>
        tpu.wait_dma2 semaphore(%run_scoped3A : memref<!tpu.dma_semaphore, #tpu.memory_space<semaphore_mem>>) src(%arg9 : memref<125x128xf32, #tpu.memory_space<vmem>>) dst(%dma_wait3A_46 : memref<125x128xf32, #tpu.memory_space<vmem_shared>>)
        tpu.yield
      }) : () -> ()
    } else {
    }
    %mul3A_3 = arith.constant 1280 : i32
    %mul3A_4 = arith.muli %arg0, %mul3A_3 : i32
    %mul3A_5 = arith.constant 80 : i32
    %mul3A_6 = arith.muli %arg1, %mul3A_5 : i32
    %add3A = arith.addi %mul3A_4, %mul3A_6 : i32
    %barrier3A = arith.constant 0 : index
    tpu.barrier barrier_id(%barrier3A)
    %scan3A = arith.constant 0 : i32
    %scan3A_7 = arith.constant 0 : i32
    %scan3A_8 = arith.constant 2 : i32
    %scan3A_9 = arith.addi %scan3A_7, %scan3A_8 : i32
    %scan3A_10 = arith.constant 1 : i32
    scf.for %scan3A_18 = %scan3A_7 to %scan3A_9 step %scan3A_10  : i32 {
      %mul3A_19 = arith.constant 40 : i32
      %mul3A_20 = arith.muli %scan3A_18, %mul3A_19 : i32
      %add3A_21 = arith.addi %add3A, %mul3A_20 : i32
      "tpu.region"() ({
        %run_scoped3A = tpu.sem_alloc : memref<!tpu.dma_semaphore, #tpu.memory_space<semaphore_mem>>
        %dma_start3A_37 = arith.constant 0 : i32
        %dma_start3A_38 = tpu.memref_slice %arg3[%add3A_21, %dma_start3A_37] : memref<2560x125xi32, #tpu.memory_space<hbm>> -> memref<40x125xi32, #tpu.memory_space<hbm>>
        %dma_start3A_39 = arith.constant 0 : i32
        %dma_start3A_40 = tpu.memref_slice %arg3[%add3A_21, %dma_start3A_39] : memref<2560x125xi32, #tpu.memory_space<hbm>> -> memref<40x125xi32, #tpu.memory_space<hbm>>
        tpu.enqueue_dma source(%dma_start3A_40 : memref<40x125xi32, #tpu.memory_space<hbm>>) target(%arg7 : memref<40x125xi32, #tpu.memory_space<vmem>>) target_semaphore(%run_scoped3A : memref<!tpu.dma_semaphore, #tpu.memory_space<semaphore_mem>>)
        %dma_wait3A = arith.constant 0 : i32
        %dma_wait3A_41 = tpu.memref_slice %arg3[%add3A_21, %dma_wait3A] : memref<2560x125xi32, #tpu.memory_space<hbm>> -> memref<40x125xi32, #tpu.memory_space<hbm>>
        %dma_wait3A_42 = arith.constant 0 : i32
        %dma_wait3A_43 = tpu.memref_slice %arg3[%add3A_21, %dma_wait3A_42] : memref<2560x125xi32, #tpu.memory_space<hbm>> -> memref<40x125xi32, #tpu.memory_space<hbm>>
        tpu.wait_dma2 semaphore(%run_scoped3A : memref<!tpu.dma_semaphore, #tpu.memory_space<semaphore_mem>>) src(%dma_wait3A_43 : memref<40x125xi32, #tpu.memory_space<hbm>>) dst(%arg7 : memref<40x125xi32, #tpu.memory_space<vmem>>)
        tpu.yield
      }) : () -> ()
      %mul3A_22 = arith.constant 40 : i32
      %mul3A_23 = arith.muli %scan3A_18, %mul3A_22 : i32
      %add3A_24 = arith.addi %add3A, %mul3A_23 : i32
      "tpu.region"() ({
        %run_scoped3A = tpu.sem_alloc : memref<!tpu.dma_semaphore, #tpu.memory_space<semaphore_mem>>
        %dma_start3A_37 = arith.constant 0 : i32
        %dma_start3A_38 = tpu.memref_slice %arg4[%add3A_24, %dma_start3A_37] : memref<2560x125xi32, #tpu.memory_space<hbm>> -> memref<40x125xi32, #tpu.memory_space<hbm>>
        %dma_start3A_39 = arith.constant 0 : i32
        %dma_start3A_40 = tpu.memref_slice %arg4[%add3A_24, %dma_start3A_39] : memref<2560x125xi32, #tpu.memory_space<hbm>> -> memref<40x125xi32, #tpu.memory_space<hbm>>
        tpu.enqueue_dma source(%dma_start3A_40 : memref<40x125xi32, #tpu.memory_space<hbm>>) target(%arg8 : memref<40x125xi32, #tpu.memory_space<vmem>>) target_semaphore(%run_scoped3A : memref<!tpu.dma_semaphore, #tpu.memory_space<semaphore_mem>>)
        %dma_wait3A = arith.constant 0 : i32
        %dma_wait3A_41 = tpu.memref_slice %arg4[%add3A_24, %dma_wait3A] : memref<2560x125xi32, #tpu.memory_space<hbm>> -> memref<40x125xi32, #tpu.memory_space<hbm>>
        %dma_wait3A_42 = arith.constant 0 : i32
        %dma_wait3A_43 = tpu.memref_slice %arg4[%add3A_24, %dma_wait3A_42] : memref<2560x125xi32, #tpu.memory_space<hbm>> -> memref<40x125xi32, #tpu.memory_space<hbm>>
        tpu.wait_dma2 semaphore(%run_scoped3A : memref<!tpu.dma_semaphore, #tpu.memory_space<semaphore_mem>>) src(%dma_wait3A_43 : memref<40x125xi32, #tpu.memory_space<hbm>>) dst(%arg8 : memref<40x125xi32, #tpu.memory_space<vmem>>)
        tpu.yield
      }) : () -> ()
      %dma_start3A = arith.constant 0 : i32
      %dma_start3A_25 = arith.constant 0 : i32
      %dma_start3A_26 = tpu.memref_slice %arg7[%dma_start3A, %dma_start3A_25] : memref<40x125xi32, #tpu.memory_space<vmem>> -> memref<1x125xi32, #tpu.memory_space<vmem>>
      %dma_start3A_27 = tpu.memref_squeeze %dma_start3A_26 : memref<1x125xi32, #tpu.memory_space<vmem>> -> memref<125xi32, #tpu.memory_space<vmem>>
      %dma_start3A_28 = arith.constant 0 : i32
      %dma_start3A_29 = arith.constant 0 : i32
      %dma_start3A_30 = tpu.memref_slice %arg2[%dma_start3A_28, %dma_start3A_29] : memref<10000x128xf32, #tpu.memory_space<hbm>> -> memref<10000x128xf32, #tpu.memory_space<hbm>>
      tpu.enqueue_indirect_dma source(%dma_start3A_30 : memref<10000x128xf32, #tpu.memory_space<hbm>>) target(%arg9 : memref<125x128xf32, #tpu.memory_space<vmem>>) offsets(%dma_start3A_27 : memref<125xi32, #tpu.memory_space<vmem>>) semaphore(%arg11 : memref<!tpu.dma_semaphore, #tpu.memory_space<semaphore_mem>>)
      %scan3A_31 = arith.constant 0 : i32
      %scan3A_32 = arith.constant 0 : i32
      %scan3A_33 = arith.constant 20 : i32
      %scan3A_34 = arith.addi %scan3A_32, %scan3A_33 : i32
      %scan3A_35 = arith.constant 1 : i32
      scf.for %scan3A_37 = %scan3A_32 to %scan3A_34 step %scan3A_35  : i32 {
        %mul3A_38 = arith.constant 2 : i32
        %mul3A_39 = arith.muli %mul3A_38, %scan3A_37 : i32
        %add3A_40 = arith.constant 1 : i32
        %add3A_41 = arith.addi %mul3A_39, %add3A_40 : i32
        %dma_start3A_42 = arith.constant 0 : i32
        %dma_start3A_43 = tpu.memref_slice %arg7[%add3A_41, %dma_start3A_42] : memref<40x125xi32, #tpu.memory_space<vmem>> -> memref<1x125xi32, #tpu.memory_space<vmem>>
        %dma_start3A_44 = tpu.memref_squeeze %dma_start3A_43 : memref<1x125xi32, #tpu.memory_space<vmem>> -> memref<125xi32, #tpu.memory_space<vmem>>
        %dma_start3A_45 = arith.constant 0 : i32
        %dma_start3A_46 = arith.constant 0 : i32
        %dma_start3A_47 = tpu.memref_slice %arg2[%dma_start3A_45, %dma_start3A_46] : memref<10000x128xf32, #tpu.memory_space<hbm>> -> memref<10000x128xf32, #tpu.memory_space<hbm>>
        tpu.enqueue_indirect_dma source(%dma_start3A_47 : memref<10000x128xf32, #tpu.memory_space<hbm>>) target(%arg10 : memref<125x128xf32, #tpu.memory_space<vmem>>) offsets(%dma_start3A_44 : memref<125xi32, #tpu.memory_space<vmem>>) semaphore(%arg12 : memref<!tpu.dma_semaphore, #tpu.memory_space<semaphore_mem>>)
        %dma_wait3A = arith.constant 0 : i32
        %dma_wait3A_48 = tpu.memref_slice %arg7[%mul3A_39, %dma_wait3A] : memref<40x125xi32, #tpu.memory_space<vmem>> -> memref<1x125xi32, #tpu.memory_space<vmem>>
        %dma_wait3A_49 = tpu.memref_squeeze %dma_wait3A_48 : memref<1x125xi32, #tpu.memory_space<vmem>> -> memref<125xi32, #tpu.memory_space<vmem>>
        %dma_wait3A_50 = arith.constant 0 : i32
        %dma_wait3A_51 = arith.constant 0 : i32
        %dma_wait3A_52 = tpu.memref_slice %arg2[%dma_wait3A_50, %dma_wait3A_51] : memref<10000x128xf32, #tpu.memory_space<hbm>> -> memref<10000x128xf32, #tpu.memory_space<hbm>>
        tpu.wait_indirect_dma semaphore(%arg11 : memref<!tpu.dma_semaphore, #tpu.memory_space<semaphore_mem>>) src(%dma_wait3A_52 : memref<10000x128xf32, #tpu.memory_space<hbm>>) dst(%arg9 : memref<125x128xf32, #tpu.memory_space<vmem>>)
        "tpu.region"() ({
          %run_scoped3A = tpu.sem_alloc : memref<!tpu.dma_semaphore, #tpu.memory_space<semaphore_mem>>
          %dma_start3A_68 = arith.constant 0 : i32
          %dma_start3A_69 = tpu.memref_slice %arg8[%mul3A_39, %dma_start3A_68] : memref<40x125xi32, #tpu.memory_space<vmem>> -> memref<1x125xi32, #tpu.memory_space<vmem>>
          %dma_start3A_70 = tpu.memref_squeeze %dma_start3A_69 : memref<1x125xi32, #tpu.memory_space<vmem>> -> memref<125xi32, #tpu.memory_space<vmem>>
          %dma_start3A_71 = arith.constant 0 : i32
          %dma_start3A_72 = arith.constant 0 : i32
          %dma_start3A_73 = tpu.memref_slice %arg6[%dma_start3A_71, %dma_start3A_72] : memref<10000x128xf32, #tpu.memory_space<vmem_shared>> -> memref<10000x128xf32, #tpu.memory_space<vmem_shared>>
          tpu.enqueue_indirect_dma source(%arg9 : memref<125x128xf32, #tpu.memory_space<vmem>>) target(%dma_start3A_73 : memref<10000x128xf32, #tpu.memory_space<vmem_shared>>) offsets(%dma_start3A_70 : memref<125xi32, #tpu.memory_space<vmem>>) semaphore(%run_scoped3A : memref<!tpu.dma_semaphore, #tpu.memory_space<semaphore_mem>>) {add = true}
          %dma_wait3A_74 = arith.constant 0 : i32
          %dma_wait3A_75 = tpu.memref_slice %arg8[%mul3A_39, %dma_wait3A_74] : memref<40x125xi32, #tpu.memory_space<vmem>> -> memref<1x125xi32, #tpu.memory_space<vmem>>
          %dma_wait3A_76 = tpu.memref_squeeze %dma_wait3A_75 : memref<1x125xi32, #tpu.memory_space<vmem>> -> memref<125xi32, #tpu.memory_space<vmem>>
          %dma_wait3A_77 = arith.constant 0 : i32
          %dma_wait3A_78 = arith.constant 0 : i32
          %dma_wait3A_79 = tpu.memref_slice %arg6[%dma_wait3A_77, %dma_wait3A_78] : memref<10000x128xf32, #tpu.memory_space<vmem_shared>> -> memref<10000x128xf32, #tpu.memory_space<vmem_shared>>
          tpu.wait_indirect_dma semaphore(%run_scoped3A : memref<!tpu.dma_semaphore, #tpu.memory_space<semaphore_mem>>) src(%arg9 : memref<125x128xf32, #tpu.memory_space<vmem>>) dst(%dma_wait3A_79 : memref<10000x128xf32, #tpu.memory_space<vmem_shared>>)
          tpu.yield
        }) : () -> ()
        %lt3A_53 = arith.constant 19 : i32
        %lt3A_54 = arith.cmpi slt, %scan3A_37, %lt3A_53 : i32
        %convert_element_type3A_55 = arith.extui %lt3A_54 : i1 to i32
        %cond3A_56 = arith.constant 0 : i32
        %cond3A_57 = arith.cmpi ne, %convert_element_type3A_55, %cond3A_56 : i32
        scf.if %cond3A_57 {
          %add3A_68 = arith.constant 2 : i32
          %add3A_69 = arith.addi %mul3A_39, %add3A_68 : i32
          %dma_start3A_70 = arith.constant 0 : i32
          %dma_start3A_71 = tpu.memref_slice %arg7[%add3A_69, %dma_start3A_70] : memref<40x125xi32, #tpu.memory_space<vmem>> -> memref<1x125xi32, #tpu.memory_space<vmem>>
          %dma_start3A_72 = tpu.memref_squeeze %dma_start3A_71 : memref<1x125xi32, #tpu.memory_space<vmem>> -> memref<125xi32, #tpu.memory_space<vmem>>
          %dma_start3A_73 = arith.constant 0 : i32
          %dma_start3A_74 = arith.constant 0 : i32
          %dma_start3A_75 = tpu.memref_slice %arg2[%dma_start3A_73, %dma_start3A_74] : memref<10000x128xf32, #tpu.memory_space<hbm>> -> memref<10000x128xf32, #tpu.memory_space<hbm>>
          tpu.enqueue_indirect_dma source(%dma_start3A_75 : memref<10000x128xf32, #tpu.memory_space<hbm>>) target(%arg9 : memref<125x128xf32, #tpu.memory_space<vmem>>) offsets(%dma_start3A_72 : memref<125xi32, #tpu.memory_space<vmem>>) semaphore(%arg11 : memref<!tpu.dma_semaphore, #tpu.memory_space<semaphore_mem>>)
        } else {
        }
        %add3A_58 = arith.constant 1 : i32
        %add3A_59 = arith.addi %mul3A_39, %add3A_58 : i32
        %dma_wait3A_60 = arith.constant 0 : i32
        %dma_wait3A_61 = tpu.memref_slice %arg7[%add3A_59, %dma_wait3A_60] : memref<40x125xi32, #tpu.memory_space<vmem>> -> memref<1x125xi32, #tpu.memory_space<vmem>>
        %dma_wait3A_62 = tpu.memref_squeeze %dma_wait3A_61 : memref<1x125xi32, #tpu.memory_space<vmem>> -> memref<125xi32, #tpu.memory_space<vmem>>
        %dma_wait3A_63 = arith.constant 0 : i32
        %dma_wait3A_64 = arith.constant 0 : i32
        %dma_wait3A_65 = tpu.memref_slice %arg2[%dma_wait3A_63, %dma_wait3A_64] : memref<10000x128xf32, #tpu.memory_space<hbm>> -> memref<10000x128xf32, #tpu.memory_space<hbm>>
        tpu.wait_indirect_dma semaphore(%arg12 : memref<!tpu.dma_semaphore, #tpu.memory_space<semaphore_mem>>) src(%dma_wait3A_65 : memref<10000x128xf32, #tpu.memory_space<hbm>>) dst(%arg10 : memref<125x128xf32, #tpu.memory_space<vmem>>)
        %add3A_66 = arith.constant 1 : i32
        %add3A_67 = arith.addi %mul3A_39, %add3A_66 : i32
        "tpu.region"() ({
          %run_scoped3A = tpu.sem_alloc : memref<!tpu.dma_semaphore, #tpu.memory_space<semaphore_mem>>
          %dma_start3A_68 = arith.constant 0 : i32
          %dma_start3A_69 = tpu.memref_slice %arg8[%add3A_67, %dma_start3A_68] : memref<40x125xi32, #tpu.memory_space<vmem>> -> memref<1x125xi32, #tpu.memory_space<vmem>>
          %dma_start3A_70 = tpu.memref_squeeze %dma_start3A_69 : memref<1x125xi32, #tpu.memory_space<vmem>> -> memref<125xi32, #tpu.memory_space<vmem>>
          %dma_start3A_71 = arith.constant 0 : i32
          %dma_start3A_72 = arith.constant 0 : i32
          %dma_start3A_73 = tpu.memref_slice %arg6[%dma_start3A_71, %dma_start3A_72] : memref<10000x128xf32, #tpu.memory_space<vmem_shared>> -> memref<10000x128xf32, #tpu.memory_space<vmem_shared>>
          tpu.enqueue_indirect_dma source(%arg10 : memref<125x128xf32, #tpu.memory_space<vmem>>) target(%dma_start3A_73 : memref<10000x128xf32, #tpu.memory_space<vmem_shared>>) offsets(%dma_start3A_70 : memref<125xi32, #tpu.memory_space<vmem>>) semaphore(%run_scoped3A : memref<!tpu.dma_semaphore, #tpu.memory_space<semaphore_mem>>) {add = true}
          %dma_wait3A_74 = arith.constant 0 : i32
          %dma_wait3A_75 = tpu.memref_slice %arg8[%add3A_67, %dma_wait3A_74] : memref<40x125xi32, #tpu.memory_space<vmem>> -> memref<1x125xi32, #tpu.memory_space<vmem>>
          %dma_wait3A_76 = tpu.memref_squeeze %dma_wait3A_75 : memref<1x125xi32, #tpu.memory_space<vmem>> -> memref<125xi32, #tpu.memory_space<vmem>>
          %dma_wait3A_77 = arith.constant 0 : i32
          %dma_wait3A_78 = arith.constant 0 : i32
          %dma_wait3A_79 = tpu.memref_slice %arg6[%dma_wait3A_77, %dma_wait3A_78] : memref<10000x128xf32, #tpu.memory_space<vmem_shared>> -> memref<10000x128xf32, #tpu.memory_space<vmem_shared>>
          tpu.wait_indirect_dma semaphore(%run_scoped3A : memref<!tpu.dma_semaphore, #tpu.memory_space<semaphore_mem>>) src(%arg10 : memref<125x128xf32, #tpu.memory_space<vmem>>) dst(%dma_wait3A_79 : memref<10000x128xf32, #tpu.memory_space<vmem_shared>>)
          tpu.yield
        }) : () -> ()
      }
      %scan3A_36 = arith.constant 20 : i32
    }
    %scan3A_11 = arith.constant 2 : i32
    %barrier3A_12 = arith.constant 0 : index
    tpu.barrier barrier_id(%barrier3A_12)
    %lt3A_13 = arith.constant 10 : i32
    %lt3A_14 = arith.cmpi slt, %arg1, %lt3A_13 : i32
    %convert_element_type3A_15 = arith.extui %lt3A_14 : i1 to i32
    %cond3A_16 = arith.constant 0 : i32
    %cond3A_17 = arith.cmpi ne, %convert_element_type3A_15, %cond3A_16 : i32
    scf.if %cond3A_17 {
      %mul3A_18 = arith.constant 10000 : i32
      %mul3A_19 = arith.muli %arg0, %mul3A_18 : i32
      %add3A_20 = arith.addi %mul3A_19, %mul3A_0 : i32
      "tpu.region"() ({
        %run_scoped3A = tpu.sem_alloc : memref<!tpu.dma_semaphore, #tpu.memory_space<semaphore_mem>>
        %dma_start3A = arith.constant 0 : i32
        %dma_start3A_21 = tpu.memref_slice %arg5[%add3A_20, %dma_start3A] : memref<20000x128xf32, #tpu.memory_space<hbm>> -> memref<1000x128xf32, #tpu.memory_space<hbm>>
        %dma_start3A_22 = arith.constant 0 : i32
        %dma_start3A_23 = tpu.memref_slice %arg6[%mul3A_0, %dma_start3A_22] : memref<10000x128xf32, #tpu.memory_space<vmem_shared>> -> memref<1000x128xf32, #tpu.memory_space<vmem_shared>>
        tpu.enqueue_dma source(%dma_start3A_23 : memref<1000x128xf32, #tpu.memory_space<vmem_shared>>) target(%dma_start3A_21 : memref<1000x128xf32, #tpu.memory_space<hbm>>) target_semaphore(%run_scoped3A : memref<!tpu.dma_semaphore, #tpu.memory_space<semaphore_mem>>)
        %dma_wait3A = arith.constant 0 : i32
        %dma_wait3A_24 = tpu.memref_slice %arg5[%add3A_20, %dma_wait3A] : memref<20000x128xf32, #tpu.memory_space<hbm>> -> memref<1000x128xf32, #tpu.memory_space<hbm>>
        %dma_wait3A_25 = arith.constant 0 : i32
        %dma_wait3A_26 = tpu.memref_slice %arg6[%mul3A_0, %dma_wait3A_25] : memref<10000x128xf32, #tpu.memory_space<vmem_shared>> -> memref<1000x128xf32, #tpu.memory_space<vmem_shared>>
        tpu.wait_dma2 semaphore(%run_scoped3A : memref<!tpu.dma_semaphore, #tpu.memory_space<semaphore_mem>>) src(%dma_wait3A_26 : memref<1000x128xf32, #tpu.memory_space<vmem_shared>>) dst(%dma_wait3A_24 : memref<1000x128xf32, #tpu.memory_space<hbm>>)
        tpu.yield
      }) : () -> ()
    } else {
    }
    return
  }
}

#map = affine_map<(d0, d1) -> (0, 0)>
module attributes {stable_mosaic.version = 14 : i64} {
  func.func @gcn_scatter_agg(%arg0: i32, %arg1: i32, %arg2: memref<10000x128xf32, #tpu.memory_space<hbm>>, %arg3: memref<2560x125xi32, #tpu.memory_space<hbm>>, %arg4: memref<2560x125xi32, #tpu.memory_space<hbm>>, %arg5: memref<20000x128xf32, #tpu.memory_space<hbm>>, %arg6: memref<10000x128xf32, #tpu.memory_space<vmem_shared>>, %arg7: memref<40x125xi32, #tpu.memory_space<vmem>>, %arg8: memref<40x125xi32, #tpu.memory_space<vmem>>, %arg9: memref<125x128xf32, #tpu.memory_space<vmem>>, %arg10: memref<125x128xf32, #tpu.memory_space<vmem>>, %arg11: memref<!tpu.dma_semaphore, #tpu.memory_space<semaphore_mem>>, %arg12: memref<!tpu.dma_semaphore, #tpu.memory_space<semaphore_mem>>) attributes {dimension_semantics = [#tpu.dimension_semantics<core_parallel>, #tpu.dimension_semantics<subcore_parallel>], iteration_bounds = array<i64: 2, 16>, scalar_prefetch = 0 : i64, scratch_operands = 7 : i64, tpu.core_type = #tpu.core_type<sc_vector_subcore>, window_params = [{transform_indices = #map}, {transform_indices = #map}, {transform_indices = #map}, {transform_indices = #map}]} {
    %mul3A = arith.constant 1000 : i32
    %mul3A_0 = arith.muli %arg1, %mul3A : i32
    %lt3A = arith.constant 10 : i32
    %lt3A_1 = arith.cmpi slt, %arg1, %lt3A : i32
    %convert_element_type3A = arith.extui %lt3A_1 : i1 to i32
    %cond3A = arith.constant 0 : i32
    %cond3A_2 = arith.cmpi ne, %convert_element_type3A, %cond3A : i32
    scf.if %cond3A_2 {
      %broadcast_in_dim3A = arith.constant 0.000000e+00 : f32
      %broadcast_in_dim3A_18 = vector.broadcast %broadcast_in_dim3A : f32 to vector<16xf32>
      %scan3A_19 = arith.constant 0 : i32
      %scan3A_20 = arith.constant 0 : i32
      %scan3A_21 = arith.constant 125 : i32
      %scan3A_22 = arith.addi %scan3A_20, %scan3A_21 : i32
      %scan3A_23 = arith.constant 1 : i32
      scf.for %scan3A_41 = %scan3A_20 to %scan3A_22 step %scan3A_23  : i32 {
        %swap3A = arith.index_cast %scan3A_41 : i32 to index
        %swap3A_42 = arith.constant 0 : index
        %swap3A_43 = tpu.vector_load %arg9[%swap3A, %swap3A_42] {strides = array<i32>} : memref<125x128xf32, #tpu.memory_space<vmem>>, vector<16xf32>,
        tpu.vector_store %arg9[%swap3A, %swap3A_42], %broadcast_in_dim3A_18 {strides = array<i32>} : memref<125x128xf32, #tpu.memory_space<vmem>>, vector<16xf32>,
        %swap3A_44 = arith.index_cast %scan3A_41 : i32 to index
        %swap3A_45 = arith.constant 16 : index
        %swap3A_46 = tpu.vector_load %arg9[%swap3A_44, %swap3A_45] {strides = array<i32>} : memref<125x128xf32, #tpu.memory_space<vmem>>, vector<16xf32>,
        tpu.vector_store %arg9[%swap3A_44, %swap3A_45], %broadcast_in_dim3A_18 {strides = array<i32>} : memref<125x128xf32, #tpu.memory_space<vmem>>, vector<16xf32>,
        %swap3A_47 = arith.index_cast %scan3A_41 : i32 to index
        %swap3A_48 = arith.constant 32 : index
        %swap3A_49 = tpu.vector_load %arg9[%swap3A_47, %swap3A_48] {strides = array<i32>} : memref<125x128xf32, #tpu.memory_space<vmem>>, vector<16xf32>,
        tpu.vector_store %arg9[%swap3A_47, %swap3A_48], %broadcast_in_dim3A_18 {strides = array<i32>} : memref<125x128xf32, #tpu.memory_space<vmem>>, vector<16xf32>,
        %swap3A_50 = arith.index_cast %scan3A_41 : i32 to index
        %swap3A_51 = arith.constant 48 : index
        %swap3A_52 = tpu.vector_load %arg9[%swap3A_50, %swap3A_51] {strides = array<i32>} : memref<125x128xf32, #tpu.memory_space<vmem>>, vector<16xf32>,
        tpu.vector_store %arg9[%swap3A_50, %swap3A_51], %broadcast_in_dim3A_18 {strides = array<i32>} : memref<125x128xf32, #tpu.memory_space<vmem>>, vector<16xf32>,
        %swap3A_53 = arith.index_cast %scan3A_41 : i32 to index
        %swap3A_54 = arith.constant 64 : index
        %swap3A_55 = tpu.vector_load %arg9[%swap3A_53, %swap3A_54] {strides = array<i32>} : memref<125x128xf32, #tpu.memory_space<vmem>>, vector<16xf32>,
        tpu.vector_store %arg9[%swap3A_53, %swap3A_54], %broadcast_in_dim3A_18 {strides = array<i32>} : memref<125x128xf32, #tpu.memory_space<vmem>>, vector<16xf32>,
        %swap3A_56 = arith.index_cast %scan3A_41 : i32 to index
        %swap3A_57 = arith.constant 80 : index
        %swap3A_58 = tpu.vector_load %arg9[%swap3A_56, %swap3A_57] {strides = array<i32>} : memref<125x128xf32, #tpu.memory_space<vmem>>, vector<16xf32>,
        tpu.vector_store %arg9[%swap3A_56, %swap3A_57], %broadcast_in_dim3A_18 {strides = array<i32>} : memref<125x128xf32, #tpu.memory_space<vmem>>, vector<16xf32>,
        %swap3A_59 = arith.index_cast %scan3A_41 : i32 to index
        %swap3A_60 = arith.constant 96 : index
        %swap3A_61 = tpu.vector_load %arg9[%swap3A_59, %swap3A_60] {strides = array<i32>} : memref<125x128xf32, #tpu.memory_space<vmem>>, vector<16xf32>,
        tpu.vector_store %arg9[%swap3A_59, %swap3A_60], %broadcast_in_dim3A_18 {strides = array<i32>} : memref<125x128xf32, #tpu.memory_space<vmem>>, vector<16xf32>,
        %swap3A_62 = arith.index_cast %scan3A_41 : i32 to index
        %swap3A_63 = arith.constant 112 : index
        %swap3A_64 = tpu.vector_load %arg9[%swap3A_62, %swap3A_63] {strides = array<i32>} : memref<125x128xf32, #tpu.memory_space<vmem>>, vector<16xf32>,
        tpu.vector_store %arg9[%swap3A_62, %swap3A_63], %broadcast_in_dim3A_18 {strides = array<i32>} : memref<125x128xf32, #tpu.memory_space<vmem>>, vector<16xf32>,
      }
      %scan3A_24 = arith.constant 125 : i32
      %add3A_25 = arith.constant 0 : i32
      %add3A_26 = arith.addi %mul3A_0, %add3A_25 : i32
      "tpu.region"() ({
        %run_scoped3A = tpu.sem_alloc : memref<!tpu.dma_semaphore, #tpu.memory_space<semaphore_mem>>
        %dma_start3A = arith.constant 0 : i32
        %dma_start3A_41 = tpu.memref_slice %arg6[%add3A_26, %dma_start3A] : memref<10000x128xf32, #tpu.memory_space<vmem_shared>> -> memref<125x128xf32, #tpu.memory_space<vmem_shared>>
        %dma_start3A_42 = arith.constant 0 : i32
        %dma_start3A_43 = tpu.memref_slice %arg6[%add3A_26, %dma_start3A_42] : memref<10000x128xf32, #tpu.memory_space<vmem_shared>> -> memref<125x128xf32, #tpu.memory_space<vmem_shared>>
        tpu.enqueue_dma source(%arg9 : memref<125x128xf32, #tpu.memory_space<vmem>>) target(%dma_start3A_43 : memref<125x128xf32, #tpu.memory_space<vmem_shared>>) target_semaphore(%run_scoped3A : memref<!tpu.dma_semaphore, #tpu.memory_space<semaphore_mem>>)
        %dma_wait3A = arith.constant 0 : i32
        %dma_wait3A_44 = tpu.memref_slice %arg6[%add3A_26, %dma_wait3A] : memref<10000x128xf32, #tpu.memory_space<vmem_shared>> -> memref<125x128xf32, #tpu.memory_space<vmem_shared>>
        %dma_wait3A_45 = arith.constant 0 : i32
        %dma_wait3A_46 = tpu.memref_slice %arg6[%add3A_26, %dma_wait3A_45] : memref<10000x128xf32, #tpu.memory_space<vmem_shared>> -> memref<125x128xf32, #tpu.memory_space<vmem_shared>>
        tpu.wait_dma2 semaphore(%run_scoped3A : memref<!tpu.dma_semaphore, #tpu.memory_space<semaphore_mem>>) src(%arg9 : memref<125x128xf32, #tpu.memory_space<vmem>>) dst(%dma_wait3A_46 : memref<125x128xf32, #tpu.memory_space<vmem_shared>>)
        tpu.yield
      }) : () -> ()
      %add3A_27 = arith.constant 125 : i32
      %add3A_28 = arith.addi %mul3A_0, %add3A_27 : i32
      "tpu.region"() ({
        %run_scoped3A = tpu.sem_alloc : memref<!tpu.dma_semaphore, #tpu.memory_space<semaphore_mem>>
        %dma_start3A = arith.constant 0 : i32
        %dma_start3A_41 = tpu.memref_slice %arg6[%add3A_28, %dma_start3A] : memref<10000x128xf32, #tpu.memory_space<vmem_shared>> -> memref<125x128xf32, #tpu.memory_space<vmem_shared>>
        %dma_start3A_42 = arith.constant 0 : i32
        %dma_start3A_43 = tpu.memref_slice %arg6[%add3A_28, %dma_start3A_42] : memref<10000x128xf32, #tpu.memory_space<vmem_shared>> -> memref<125x128xf32, #tpu.memory_space<vmem_shared>>
        tpu.enqueue_dma source(%arg9 : memref<125x128xf32, #tpu.memory_space<vmem>>) target(%dma_start3A_43 : memref<125x128xf32, #tpu.memory_space<vmem_shared>>) target_semaphore(%run_scoped3A : memref<!tpu.dma_semaphore, #tpu.memory_space<semaphore_mem>>)
        %dma_wait3A = arith.constant 0 : i32
        %dma_wait3A_44 = tpu.memref_slice %arg6[%add3A_28, %dma_wait3A] : memref<10000x128xf32, #tpu.memory_space<vmem_shared>> -> memref<125x128xf32, #tpu.memory_space<vmem_shared>>
        %dma_wait3A_45 = arith.constant 0 : i32
        %dma_wait3A_46 = tpu.memref_slice %arg6[%add3A_28, %dma_wait3A_45] : memref<10000x128xf32, #tpu.memory_space<vmem_shared>> -> memref<125x128xf32, #tpu.memory_space<vmem_shared>>
        tpu.wait_dma2 semaphore(%run_scoped3A : memref<!tpu.dma_semaphore, #tpu.memory_space<semaphore_mem>>) src(%arg9 : memref<125x128xf32, #tpu.memory_space<vmem>>) dst(%dma_wait3A_46 : memref<125x128xf32, #tpu.memory_space<vmem_shared>>)
        tpu.yield
      }) : () -> ()
      %add3A_29 = arith.constant 250 : i32
      %add3A_30 = arith.addi %mul3A_0, %add3A_29 : i32
      "tpu.region"() ({
        %run_scoped3A = tpu.sem_alloc : memref<!tpu.dma_semaphore, #tpu.memory_space<semaphore_mem>>
        %dma_start3A = arith.constant 0 : i32
        %dma_start3A_41 = tpu.memref_slice %arg6[%add3A_30, %dma_start3A] : memref<10000x128xf32, #tpu.memory_space<vmem_shared>> -> memref<125x128xf32, #tpu.memory_space<vmem_shared>>
        %dma_start3A_42 = arith.constant 0 : i32
        %dma_start3A_43 = tpu.memref_slice %arg6[%add3A_30, %dma_start3A_42] : memref<10000x128xf32, #tpu.memory_space<vmem_shared>> -> memref<125x128xf32, #tpu.memory_space<vmem_shared>>
        tpu.enqueue_dma source(%arg9 : memref<125x128xf32, #tpu.memory_space<vmem>>) target(%dma_start3A_43 : memref<125x128xf32, #tpu.memory_space<vmem_shared>>) target_semaphore(%run_scoped3A : memref<!tpu.dma_semaphore, #tpu.memory_space<semaphore_mem>>)
        %dma_wait3A = arith.constant 0 : i32
        %dma_wait3A_44 = tpu.memref_slice %arg6[%add3A_30, %dma_wait3A] : memref<10000x128xf32, #tpu.memory_space<vmem_shared>> -> memref<125x128xf32, #tpu.memory_space<vmem_shared>>
        %dma_wait3A_45 = arith.constant 0 : i32
        %dma_wait3A_46 = tpu.memref_slice %arg6[%add3A_30, %dma_wait3A_45] : memref<10000x128xf32, #tpu.memory_space<vmem_shared>> -> memref<125x128xf32, #tpu.memory_space<vmem_shared>>
        tpu.wait_dma2 semaphore(%run_scoped3A : memref<!tpu.dma_semaphore, #tpu.memory_space<semaphore_mem>>) src(%arg9 : memref<125x128xf32, #tpu.memory_space<vmem>>) dst(%dma_wait3A_46 : memref<125x128xf32, #tpu.memory_space<vmem_shared>>)
        tpu.yield
      }) : () -> ()
      %add3A_31 = arith.constant 375 : i32
      %add3A_32 = arith.addi %mul3A_0, %add3A_31 : i32
      "tpu.region"() ({
        %run_scoped3A = tpu.sem_alloc : memref<!tpu.dma_semaphore, #tpu.memory_space<semaphore_mem>>
        %dma_start3A = arith.constant 0 : i32
        %dma_start3A_41 = tpu.memref_slice %arg6[%add3A_32, %dma_start3A] : memref<10000x128xf32, #tpu.memory_space<vmem_shared>> -> memref<125x128xf32, #tpu.memory_space<vmem_shared>>
        %dma_start3A_42 = arith.constant 0 : i32
        %dma_start3A_43 = tpu.memref_slice %arg6[%add3A_32, %dma_start3A_42] : memref<10000x128xf32, #tpu.memory_space<vmem_shared>> -> memref<125x128xf32, #tpu.memory_space<vmem_shared>>
        tpu.enqueue_dma source(%arg9 : memref<125x128xf32, #tpu.memory_space<vmem>>) target(%dma_start3A_43 : memref<125x128xf32, #tpu.memory_space<vmem_shared>>) target_semaphore(%run_scoped3A : memref<!tpu.dma_semaphore, #tpu.memory_space<semaphore_mem>>)
        %dma_wait3A = arith.constant 0 : i32
        %dma_wait3A_44 = tpu.memref_slice %arg6[%add3A_32, %dma_wait3A] : memref<10000x128xf32, #tpu.memory_space<vmem_shared>> -> memref<125x128xf32, #tpu.memory_space<vmem_shared>>
        %dma_wait3A_45 = arith.constant 0 : i32
        %dma_wait3A_46 = tpu.memref_slice %arg6[%add3A_32, %dma_wait3A_45] : memref<10000x128xf32, #tpu.memory_space<vmem_shared>> -> memref<125x128xf32, #tpu.memory_space<vmem_shared>>
        tpu.wait_dma2 semaphore(%run_scoped3A : memref<!tpu.dma_semaphore, #tpu.memory_space<semaphore_mem>>) src(%arg9 : memref<125x128xf32, #tpu.memory_space<vmem>>) dst(%dma_wait3A_46 : memref<125x128xf32, #tpu.memory_space<vmem_shared>>)
        tpu.yield
      }) : () -> ()
      %add3A_33 = arith.constant 500 : i32
      %add3A_34 = arith.addi %mul3A_0, %add3A_33 : i32
      "tpu.region"() ({
        %run_scoped3A = tpu.sem_alloc : memref<!tpu.dma_semaphore, #tpu.memory_space<semaphore_mem>>
        %dma_start3A = arith.constant 0 : i32
        %dma_start3A_41 = tpu.memref_slice %arg6[%add3A_34, %dma_start3A] : memref<10000x128xf32, #tpu.memory_space<vmem_shared>> -> memref<125x128xf32, #tpu.memory_space<vmem_shared>>
        %dma_start3A_42 = arith.constant 0 : i32
        %dma_start3A_43 = tpu.memref_slice %arg6[%add3A_34, %dma_start3A_42] : memref<10000x128xf32, #tpu.memory_space<vmem_shared>> -> memref<125x128xf32, #tpu.memory_space<vmem_shared>>
        tpu.enqueue_dma source(%arg9 : memref<125x128xf32, #tpu.memory_space<vmem>>) target(%dma_start3A_43 : memref<125x128xf32, #tpu.memory_space<vmem_shared>>) target_semaphore(%run_scoped3A : memref<!tpu.dma_semaphore, #tpu.memory_space<semaphore_mem>>)
        %dma_wait3A = arith.constant 0 : i32
        %dma_wait3A_44 = tpu.memref_slice %arg6[%add3A_34, %dma_wait3A] : memref<10000x128xf32, #tpu.memory_space<vmem_shared>> -> memref<125x128xf32, #tpu.memory_space<vmem_shared>>
        %dma_wait3A_45 = arith.constant 0 : i32
        %dma_wait3A_46 = tpu.memref_slice %arg6[%add3A_34, %dma_wait3A_45] : memref<10000x128xf32, #tpu.memory_space<vmem_shared>> -> memref<125x128xf32, #tpu.memory_space<vmem_shared>>
        tpu.wait_dma2 semaphore(%run_scoped3A : memref<!tpu.dma_semaphore, #tpu.memory_space<semaphore_mem>>) src(%arg9 : memref<125x128xf32, #tpu.memory_space<vmem>>) dst(%dma_wait3A_46 : memref<125x128xf32, #tpu.memory_space<vmem_shared>>)
        tpu.yield
      }) : () -> ()
      %add3A_35 = arith.constant 625 : i32
      %add3A_36 = arith.addi %mul3A_0, %add3A_35 : i32
      "tpu.region"() ({
        %run_scoped3A = tpu.sem_alloc : memref<!tpu.dma_semaphore, #tpu.memory_space<semaphore_mem>>
        %dma_start3A = arith.constant 0 : i32
        %dma_start3A_41 = tpu.memref_slice %arg6[%add3A_36, %dma_start3A] : memref<10000x128xf32, #tpu.memory_space<vmem_shared>> -> memref<125x128xf32, #tpu.memory_space<vmem_shared>>
        %dma_start3A_42 = arith.constant 0 : i32
        %dma_start3A_43 = tpu.memref_slice %arg6[%add3A_36, %dma_start3A_42] : memref<10000x128xf32, #tpu.memory_space<vmem_shared>> -> memref<125x128xf32, #tpu.memory_space<vmem_shared>>
        tpu.enqueue_dma source(%arg9 : memref<125x128xf32, #tpu.memory_space<vmem>>) target(%dma_start3A_43 : memref<125x128xf32, #tpu.memory_space<vmem_shared>>) target_semaphore(%run_scoped3A : memref<!tpu.dma_semaphore, #tpu.memory_space<semaphore_mem>>)
        %dma_wait3A = arith.constant 0 : i32
        %dma_wait3A_44 = tpu.memref_slice %arg6[%add3A_36, %dma_wait3A] : memref<10000x128xf32, #tpu.memory_space<vmem_shared>> -> memref<125x128xf32, #tpu.memory_space<vmem_shared>>
        %dma_wait3A_45 = arith.constant 0 : i32
        %dma_wait3A_46 = tpu.memref_slice %arg6[%add3A_36, %dma_wait3A_45] : memref<10000x128xf32, #tpu.memory_space<vmem_shared>> -> memref<125x128xf32, #tpu.memory_space<vmem_shared>>
        tpu.wait_dma2 semaphore(%run_scoped3A : memref<!tpu.dma_semaphore, #tpu.memory_space<semaphore_mem>>) src(%arg9 : memref<125x128xf32, #tpu.memory_space<vmem>>) dst(%dma_wait3A_46 : memref<125x128xf32, #tpu.memory_space<vmem_shared>>)
        tpu.yield
      }) : () -> ()
      %add3A_37 = arith.constant 750 : i32
      %add3A_38 = arith.addi %mul3A_0, %add3A_37 : i32
      "tpu.region"() ({
        %run_scoped3A = tpu.sem_alloc : memref<!tpu.dma_semaphore, #tpu.memory_space<semaphore_mem>>
        %dma_start3A = arith.constant 0 : i32
        %dma_start3A_41 = tpu.memref_slice %arg6[%add3A_38, %dma_start3A] : memref<10000x128xf32, #tpu.memory_space<vmem_shared>> -> memref<125x128xf32, #tpu.memory_space<vmem_shared>>
        %dma_start3A_42 = arith.constant 0 : i32
        %dma_start3A_43 = tpu.memref_slice %arg6[%add3A_38, %dma_start3A_42] : memref<10000x128xf32, #tpu.memory_space<vmem_shared>> -> memref<125x128xf32, #tpu.memory_space<vmem_shared>>
        tpu.enqueue_dma source(%arg9 : memref<125x128xf32, #tpu.memory_space<vmem>>) target(%dma_start3A_43 : memref<125x128xf32, #tpu.memory_space<vmem_shared>>) target_semaphore(%run_scoped3A : memref<!tpu.dma_semaphore, #tpu.memory_space<semaphore_mem>>)
        %dma_wait3A = arith.constant 0 : i32
        %dma_wait3A_44 = tpu.memref_slice %arg6[%add3A_38, %dma_wait3A] : memref<10000x128xf32, #tpu.memory_space<vmem_shared>> -> memref<125x128xf32, #tpu.memory_space<vmem_shared>>
        %dma_wait3A_45 = arith.constant 0 : i32
        %dma_wait3A_46 = tpu.memref_slice %arg6[%add3A_38, %dma_wait3A_45] : memref<10000x128xf32, #tpu.memory_space<vmem_shared>> -> memref<125x128xf32, #tpu.memory_space<vmem_shared>>
        tpu.wait_dma2 semaphore(%run_scoped3A : memref<!tpu.dma_semaphore, #tpu.memory_space<semaphore_mem>>) src(%arg9 : memref<125x128xf32, #tpu.memory_space<vmem>>) dst(%dma_wait3A_46 : memref<125x128xf32, #tpu.memory_space<vmem_shared>>)
        tpu.yield
      }) : () -> ()
      %add3A_39 = arith.constant 875 : i32
      %add3A_40 = arith.addi %mul3A_0, %add3A_39 : i32
      "tpu.region"() ({
        %run_scoped3A = tpu.sem_alloc : memref<!tpu.dma_semaphore, #tpu.memory_space<semaphore_mem>>
        %dma_start3A = arith.constant 0 : i32
        %dma_start3A_41 = tpu.memref_slice %arg6[%add3A_40, %dma_start3A] : memref<10000x128xf32, #tpu.memory_space<vmem_shared>> -> memref<125x128xf32, #tpu.memory_space<vmem_shared>>
        %dma_start3A_42 = arith.constant 0 : i32
        %dma_start3A_43 = tpu.memref_slice %arg6[%add3A_40, %dma_start3A_42] : memref<10000x128xf32, #tpu.memory_space<vmem_shared>> -> memref<125x128xf32, #tpu.memory_space<vmem_shared>>
        tpu.enqueue_dma source(%arg9 : memref<125x128xf32, #tpu.memory_space<vmem>>) target(%dma_start3A_43 : memref<125x128xf32, #tpu.memory_space<vmem_shared>>) target_semaphore(%run_scoped3A : memref<!tpu.dma_semaphore, #tpu.memory_space<semaphore_mem>>)
        %dma_wait3A = arith.constant 0 : i32
        %dma_wait3A_44 = tpu.memref_slice %arg6[%add3A_40, %dma_wait3A] : memref<10000x128xf32, #tpu.memory_space<vmem_shared>> -> memref<125x128xf32, #tpu.memory_space<vmem_shared>>
        %dma_wait3A_45 = arith.constant 0 : i32
        %dma_wait3A_46 = tpu.memref_slice %arg6[%add3A_40, %dma_wait3A_45] : memref<10000x128xf32, #tpu.memory_space<vmem_shared>> -> memref<125x128xf32, #tpu.memory_space<vmem_shared>>
        tpu.wait_dma2 semaphore(%run_scoped3A : memref<!tpu.dma_semaphore, #tpu.memory_space<semaphore_mem>>) src(%arg9 : memref<125x128xf32, #tpu.memory_space<vmem>>) dst(%dma_wait3A_46 : memref<125x128xf32, #tpu.memory_space<vmem_shared>>)
        tpu.yield
      }) : () -> ()
    } else {
    }
    %mul3A_3 = arith.constant 1280 : i32
    %mul3A_4 = arith.muli %arg0, %mul3A_3 : i32
    %mul3A_5 = arith.constant 80 : i32
    %mul3A_6 = arith.muli %arg1, %mul3A_5 : i32
    %add3A = arith.addi %mul3A_4, %mul3A_6 : i32
    %barrier3A = arith.constant 0 : index
    tpu.barrier barrier_id(%barrier3A)
    %scan3A = arith.constant 0 : i32
    %scan3A_7 = arith.constant 0 : i32
    %scan3A_8 = arith.constant 2 : i32
    %scan3A_9 = arith.addi %scan3A_7, %scan3A_8 : i32
    %scan3A_10 = arith.constant 1 : i32
    scf.for %scan3A_18 = %scan3A_7 to %scan3A_9 step %scan3A_10  : i32 {
      %mul3A_19 = arith.constant 40 : i32
      %mul3A_20 = arith.muli %scan3A_18, %mul3A_19 : i32
      %add3A_21 = arith.addi %add3A, %mul3A_20 : i32
      "tpu.region"() ({
        %run_scoped3A = tpu.sem_alloc : memref<!tpu.dma_semaphore, #tpu.memory_space<semaphore_mem>>
        %dma_start3A_37 = arith.constant 0 : i32
        %dma_start3A_38 = tpu.memref_slice %arg3[%add3A_21, %dma_start3A_37] : memref<2560x125xi32, #tpu.memory_space<hbm>> -> memref<40x125xi32, #tpu.memory_space<hbm>>
        %dma_start3A_39 = arith.constant 0 : i32
        %dma_start3A_40 = tpu.memref_slice %arg3[%add3A_21, %dma_start3A_39] : memref<2560x125xi32, #tpu.memory_space<hbm>> -> memref<40x125xi32, #tpu.memory_space<hbm>>
        tpu.enqueue_dma source(%dma_start3A_40 : memref<40x125xi32, #tpu.memory_space<hbm>>) target(%arg7 : memref<40x125xi32, #tpu.memory_space<vmem>>) target_semaphore(%run_scoped3A : memref<!tpu.dma_semaphore, #tpu.memory_space<semaphore_mem>>)
        %dma_wait3A = arith.constant 0 : i32
        %dma_wait3A_41 = tpu.memref_slice %arg3[%add3A_21, %dma_wait3A] : memref<2560x125xi32, #tpu.memory_space<hbm>> -> memref<40x125xi32, #tpu.memory_space<hbm>>
        %dma_wait3A_42 = arith.constant 0 : i32
        %dma_wait3A_43 = tpu.memref_slice %arg3[%add3A_21, %dma_wait3A_42] : memref<2560x125xi32, #tpu.memory_space<hbm>> -> memref<40x125xi32, #tpu.memory_space<hbm>>
        tpu.wait_dma2 semaphore(%run_scoped3A : memref<!tpu.dma_semaphore, #tpu.memory_space<semaphore_mem>>) src(%dma_wait3A_43 : memref<40x125xi32, #tpu.memory_space<hbm>>) dst(%arg7 : memref<40x125xi32, #tpu.memory_space<vmem>>)
        tpu.yield
      }) : () -> ()
      %mul3A_22 = arith.constant 40 : i32
      %mul3A_23 = arith.muli %scan3A_18, %mul3A_22 : i32
      %add3A_24 = arith.addi %add3A, %mul3A_23 : i32
      "tpu.region"() ({
        %run_scoped3A = tpu.sem_alloc : memref<!tpu.dma_semaphore, #tpu.memory_space<semaphore_mem>>
        %dma_start3A_37 = arith.constant 0 : i32
        %dma_start3A_38 = tpu.memref_slice %arg4[%add3A_24, %dma_start3A_37] : memref<2560x125xi32, #tpu.memory_space<hbm>> -> memref<40x125xi32, #tpu.memory_space<hbm>>
        %dma_start3A_39 = arith.constant 0 : i32
        %dma_start3A_40 = tpu.memref_slice %arg4[%add3A_24, %dma_start3A_39] : memref<2560x125xi32, #tpu.memory_space<hbm>> -> memref<40x125xi32, #tpu.memory_space<hbm>>
        tpu.enqueue_dma source(%dma_start3A_40 : memref<40x125xi32, #tpu.memory_space<hbm>>) target(%arg8 : memref<40x125xi32, #tpu.memory_space<vmem>>) target_semaphore(%run_scoped3A : memref<!tpu.dma_semaphore, #tpu.memory_space<semaphore_mem>>)
        %dma_wait3A = arith.constant 0 : i32
        %dma_wait3A_41 = tpu.memref_slice %arg4[%add3A_24, %dma_wait3A] : memref<2560x125xi32, #tpu.memory_space<hbm>> -> memref<40x125xi32, #tpu.memory_space<hbm>>
        %dma_wait3A_42 = arith.constant 0 : i32
        %dma_wait3A_43 = tpu.memref_slice %arg4[%add3A_24, %dma_wait3A_42] : memref<2560x125xi32, #tpu.memory_space<hbm>> -> memref<40x125xi32, #tpu.memory_space<hbm>>
        tpu.wait_dma2 semaphore(%run_scoped3A : memref<!tpu.dma_semaphore, #tpu.memory_space<semaphore_mem>>) src(%dma_wait3A_43 : memref<40x125xi32, #tpu.memory_space<hbm>>) dst(%arg8 : memref<40x125xi32, #tpu.memory_space<vmem>>)
        tpu.yield
      }) : () -> ()
      %dma_start3A = arith.constant 0 : i32
      %dma_start3A_25 = arith.constant 0 : i32
      %dma_start3A_26 = tpu.memref_slice %arg7[%dma_start3A, %dma_start3A_25] : memref<40x125xi32, #tpu.memory_space<vmem>> -> memref<1x125xi32, #tpu.memory_space<vmem>>
      %dma_start3A_27 = tpu.memref_squeeze %dma_start3A_26 : memref<1x125xi32, #tpu.memory_space<vmem>> -> memref<125xi32, #tpu.memory_space<vmem>>
      %dma_start3A_28 = arith.constant 0 : i32
      %dma_start3A_29 = arith.constant 0 : i32
      %dma_start3A_30 = tpu.memref_slice %arg2[%dma_start3A_28, %dma_start3A_29] : memref<10000x128xf32, #tpu.memory_space<hbm>> -> memref<10000x128xf32, #tpu.memory_space<hbm>>
      tpu.enqueue_indirect_dma source(%dma_start3A_30 : memref<10000x128xf32, #tpu.memory_space<hbm>>) target(%arg9 : memref<125x128xf32, #tpu.memory_space<vmem>>) offsets(%dma_start3A_27 : memref<125xi32, #tpu.memory_space<vmem>>) semaphore(%arg11 : memref<!tpu.dma_semaphore, #tpu.memory_space<semaphore_mem>>)
      %scan3A_31 = arith.constant 0 : i32
      %scan3A_32 = arith.constant 0 : i32
      %scan3A_33 = arith.constant 20 : i32
      %scan3A_34 = arith.addi %scan3A_32, %scan3A_33 : i32
      %scan3A_35 = arith.constant 1 : i32
      scf.for %scan3A_37 = %scan3A_32 to %scan3A_34 step %scan3A_35  : i32 {
        %mul3A_38 = arith.constant 2 : i32
        %mul3A_39 = arith.muli %mul3A_38, %scan3A_37 : i32
        %add3A_40 = arith.constant 1 : i32
        %add3A_41 = arith.addi %mul3A_39, %add3A_40 : i32
        %dma_start3A_42 = arith.constant 0 : i32
        %dma_start3A_43 = tpu.memref_slice %arg7[%add3A_41, %dma_start3A_42] : memref<40x125xi32, #tpu.memory_space<vmem>> -> memref<1x125xi32, #tpu.memory_space<vmem>>
        %dma_start3A_44 = tpu.memref_squeeze %dma_start3A_43 : memref<1x125xi32, #tpu.memory_space<vmem>> -> memref<125xi32, #tpu.memory_space<vmem>>
        %dma_start3A_45 = arith.constant 0 : i32
        %dma_start3A_46 = arith.constant 0 : i32
        %dma_start3A_47 = tpu.memref_slice %arg2[%dma_start3A_45, %dma_start3A_46] : memref<10000x128xf32, #tpu.memory_space<hbm>> -> memref<10000x128xf32, #tpu.memory_space<hbm>>
        tpu.enqueue_indirect_dma source(%dma_start3A_47 : memref<10000x128xf32, #tpu.memory_space<hbm>>) target(%arg10 : memref<125x128xf32, #tpu.memory_space<vmem>>) offsets(%dma_start3A_44 : memref<125xi32, #tpu.memory_space<vmem>>) semaphore(%arg12 : memref<!tpu.dma_semaphore, #tpu.memory_space<semaphore_mem>>)
        %dma_wait3A = arith.constant 0 : i32
        %dma_wait3A_48 = tpu.memref_slice %arg7[%mul3A_39, %dma_wait3A] : memref<40x125xi32, #tpu.memory_space<vmem>> -> memref<1x125xi32, #tpu.memory_space<vmem>>
        %dma_wait3A_49 = tpu.memref_squeeze %dma_wait3A_48 : memref<1x125xi32, #tpu.memory_space<vmem>> -> memref<125xi32, #tpu.memory_space<vmem>>
        %dma_wait3A_50 = arith.constant 0 : i32
        %dma_wait3A_51 = arith.constant 0 : i32
        %dma_wait3A_52 = tpu.memref_slice %arg2[%dma_wait3A_50, %dma_wait3A_51] : memref<10000x128xf32, #tpu.memory_space<hbm>> -> memref<10000x128xf32, #tpu.memory_space<hbm>>
        tpu.wait_indirect_dma semaphore(%arg11 : memref<!tpu.dma_semaphore, #tpu.memory_space<semaphore_mem>>) src(%dma_wait3A_52 : memref<10000x128xf32, #tpu.memory_space<hbm>>) dst(%arg9 : memref<125x128xf32, #tpu.memory_space<vmem>>)
        "tpu.region"() ({
          %run_scoped3A = tpu.sem_alloc : memref<!tpu.dma_semaphore, #tpu.memory_space<semaphore_mem>>
          %dma_start3A_68 = arith.constant 0 : i32
          %dma_start3A_69 = tpu.memref_slice %arg8[%mul3A_39, %dma_start3A_68] : memref<40x125xi32, #tpu.memory_space<vmem>> -> memref<1x125xi32, #tpu.memory_space<vmem>>
          %dma_start3A_70 = tpu.memref_squeeze %dma_start3A_69 : memref<1x125xi32, #tpu.memory_space<vmem>> -> memref<125xi32, #tpu.memory_space<vmem>>
          %dma_start3A_71 = arith.constant 0 : i32
          %dma_start3A_72 = arith.constant 0 : i32
          %dma_start3A_73 = tpu.memref_slice %arg6[%dma_start3A_71, %dma_start3A_72] : memref<10000x128xf32, #tpu.memory_space<vmem_shared>> -> memref<10000x128xf32, #tpu.memory_space<vmem_shared>>
          tpu.enqueue_indirect_dma source(%arg9 : memref<125x128xf32, #tpu.memory_space<vmem>>) target(%dma_start3A_73 : memref<10000x128xf32, #tpu.memory_space<vmem_shared>>) offsets(%dma_start3A_70 : memref<125xi32, #tpu.memory_space<vmem>>) semaphore(%run_scoped3A : memref<!tpu.dma_semaphore, #tpu.memory_space<semaphore_mem>>) {add = true}
          %dma_wait3A_74 = arith.constant 0 : i32
          %dma_wait3A_75 = tpu.memref_slice %arg8[%mul3A_39, %dma_wait3A_74] : memref<40x125xi32, #tpu.memory_space<vmem>> -> memref<1x125xi32, #tpu.memory_space<vmem>>
          %dma_wait3A_76 = tpu.memref_squeeze %dma_wait3A_75 : memref<1x125xi32, #tpu.memory_space<vmem>> -> memref<125xi32, #tpu.memory_space<vmem>>
          %dma_wait3A_77 = arith.constant 0 : i32
          %dma_wait3A_78 = arith.constant 0 : i32
          %dma_wait3A_79 = tpu.memref_slice %arg6[%dma_wait3A_77, %dma_wait3A_78] : memref<10000x128xf32, #tpu.memory_space<vmem_shared>> -> memref<10000x128xf32, #tpu.memory_space<vmem_shared>>
          tpu.wait_indirect_dma semaphore(%run_scoped3A : memref<!tpu.dma_semaphore, #tpu.memory_space<semaphore_mem>>) src(%arg9 : memref<125x128xf32, #tpu.memory_space<vmem>>) dst(%dma_wait3A_79 : memref<10000x128xf32, #tpu.memory_space<vmem_shared>>)
          tpu.yield
        }) : () -> ()
        %lt3A_53 = arith.constant 19 : i32
        %lt3A_54 = arith.cmpi slt, %scan3A_37, %lt3A_53 : i32
        %convert_element_type3A_55 = arith.extui %lt3A_54 : i1 to i32
        %cond3A_56 = arith.constant 0 : i32
        %cond3A_57 = arith.cmpi ne, %convert_element_type3A_55, %cond3A_56 : i32
        scf.if %cond3A_57 {
          %add3A_68 = arith.constant 2 : i32
          %add3A_69 = arith.addi %mul3A_39, %add3A_68 : i32
          %dma_start3A_70 = arith.constant 0 : i32
          %dma_start3A_71 = tpu.memref_slice %arg7[%add3A_69, %dma_start3A_70] : memref<40x125xi32, #tpu.memory_space<vmem>> -> memref<1x125xi32, #tpu.memory_space<vmem>>
          %dma_start3A_72 = tpu.memref_squeeze %dma_start3A_71 : memref<1x125xi32, #tpu.memory_space<vmem>> -> memref<125xi32, #tpu.memory_space<vmem>>
          %dma_start3A_73 = arith.constant 0 : i32
          %dma_start3A_74 = arith.constant 0 : i32
          %dma_start3A_75 = tpu.memref_slice %arg2[%dma_start3A_73, %dma_start3A_74] : memref<10000x128xf32, #tpu.memory_space<hbm>> -> memref<10000x128xf32, #tpu.memory_space<hbm>>
          tpu.enqueue_indirect_dma source(%dma_start3A_75 : memref<10000x128xf32, #tpu.memory_space<hbm>>) target(%arg9 : memref<125x128xf32, #tpu.memory_space<vmem>>) offsets(%dma_start3A_72 : memref<125xi32, #tpu.memory_space<vmem>>) semaphore(%arg11 : memref<!tpu.dma_semaphore, #tpu.memory_space<semaphore_mem>>)
        } else {
        }
        %add3A_58 = arith.constant 1 : i32
        %add3A_59 = arith.addi %mul3A_39, %add3A_58 : i32
        %dma_wait3A_60 = arith.constant 0 : i32
        %dma_wait3A_61 = tpu.memref_slice %arg7[%add3A_59, %dma_wait3A_60] : memref<40x125xi32, #tpu.memory_space<vmem>> -> memref<1x125xi32, #tpu.memory_space<vmem>>
        %dma_wait3A_62 = tpu.memref_squeeze %dma_wait3A_61 : memref<1x125xi32, #tpu.memory_space<vmem>> -> memref<125xi32, #tpu.memory_space<vmem>>
        %dma_wait3A_63 = arith.constant 0 : i32
        %dma_wait3A_64 = arith.constant 0 : i32
        %dma_wait3A_65 = tpu.memref_slice %arg2[%dma_wait3A_63, %dma_wait3A_64] : memref<10000x128xf32, #tpu.memory_space<hbm>> -> memref<10000x128xf32, #tpu.memory_space<hbm>>
        tpu.wait_indirect_dma semaphore(%arg12 : memref<!tpu.dma_semaphore, #tpu.memory_space<semaphore_mem>>) src(%dma_wait3A_65 : memref<10000x128xf32, #tpu.memory_space<hbm>>) dst(%arg10 : memref<125x128xf32, #tpu.memory_space<vmem>>)
        %add3A_66 = arith.constant 1 : i32
        %add3A_67 = arith.addi %mul3A_39, %add3A_66 : i32
        "tpu.region"() ({
          %run_scoped3A = tpu.sem_alloc : memref<!tpu.dma_semaphore, #tpu.memory_space<semaphore_mem>>
          %dma_start3A_68 = arith.constant 0 : i32
          %dma_start3A_69 = tpu.memref_slice %arg8[%add3A_67, %dma_start3A_68] : memref<40x125xi32, #tpu.memory_space<vmem>> -> memref<1x125xi32, #tpu.memory_space<vmem>>
          %dma_start3A_70 = tpu.memref_squeeze %dma_start3A_69 : memref<1x125xi32, #tpu.memory_space<vmem>> -> memref<125xi32, #tpu.memory_space<vmem>>
          %dma_start3A_71 = arith.constant 0 : i32
          %dma_start3A_72 = arith.constant 0 : i32
          %dma_start3A_73 = tpu.memref_slice %arg6[%dma_start3A_71, %dma_start3A_72] : memref<10000x128xf32, #tpu.memory_space<vmem_shared>> -> memref<10000x128xf32, #tpu.memory_space<vmem_shared>>
          tpu.enqueue_indirect_dma source(%arg10 : memref<125x128xf32, #tpu.memory_space<vmem>>) target(%dma_start3A_73 : memref<10000x128xf32, #tpu.memory_space<vmem_shared>>) offsets(%dma_start3A_70 : memref<125xi32, #tpu.memory_space<vmem>>) semaphore(%run_scoped3A : memref<!tpu.dma_semaphore, #tpu.memory_space<semaphore_mem>>) {add = true}
          %dma_wait3A_74 = arith.constant 0 : i32
          %dma_wait3A_75 = tpu.memref_slice %arg8[%add3A_67, %dma_wait3A_74] : memref<40x125xi32, #tpu.memory_space<vmem>> -> memref<1x125xi32, #tpu.memory_space<vmem>>
          %dma_wait3A_76 = tpu.memref_squeeze %dma_wait3A_75 : memref<1x125xi32, #tpu.memory_space<vmem>> -> memref<125xi32, #tpu.memory_space<vmem>>
          %dma_wait3A_77 = arith.constant 0 : i32
          %dma_wait3A_78 = arith.constant 0 : i32
          %dma_wait3A_79 = tpu.memref_slice %arg6[%dma_wait3A_77, %dma_wait3A_78] : memref<10000x128xf32, #tpu.memory_space<vmem_shared>> -> memref<10000x128xf32, #tpu.memory_space<vmem_shared>>
          tpu.wait_indirect_dma semaphore(%run_scoped3A : memref<!tpu.dma_semaphore, #tpu.memory_space<semaphore_mem>>) src(%arg10 : memref<125x128xf32, #tpu.memory_space<vmem>>) dst(%dma_wait3A_79 : memref<10000x128xf32, #tpu.memory_space<vmem_shared>>)
          tpu.yield
        }) : () -> ()
      }
      %scan3A_36 = arith.constant 20 : i32
    }
    %scan3A_11 = arith.constant 2 : i32
    %barrier3A_12 = arith.constant 0 : index
    tpu.barrier barrier_id(%barrier3A_12)
    %lt3A_13 = arith.constant 10 : i32
    %lt3A_14 = arith.cmpi slt, %arg1, %lt3A_13 : i32
    %convert_element_type3A_15 = arith.extui %lt3A_14 : i1 to i32
    %cond3A_16 = arith.constant 0 : i32
    %cond3A_17 = arith.cmpi ne, %convert_element_type3A_15, %cond3A_16 : i32
    scf.if %cond3A_17 {
      %mul3A_18 = arith.constant 10000 : i32
      %mul3A_19 = arith.muli %arg0, %mul3A_18 : i32
      %add3A_20 = arith.addi %mul3A_19, %mul3A_0 : i32
      "tpu.region"() ({
        %run_scoped3A = tpu.sem_alloc : memref<!tpu.dma_semaphore, #tpu.memory_space<semaphore_mem>>
        %dma_start3A = arith.constant 0 : i32
        %dma_start3A_21 = tpu.memref_slice %arg5[%add3A_20, %dma_start3A] : memref<20000x128xf32, #tpu.memory_space<hbm>> -> memref<1000x128xf32, #tpu.memory_space<hbm>>
        %dma_start3A_22 = arith.constant 0 : i32
        %dma_start3A_23 = tpu.memref_slice %arg6[%mul3A_0, %dma_start3A_22] : memref<10000x128xf32, #tpu.memory_space<vmem_shared>> -> memref<1000x128xf32, #tpu.memory_space<vmem_shared>>
        tpu.enqueue_dma source(%dma_start3A_23 : memref<1000x128xf32, #tpu.memory_space<vmem_shared>>) target(%dma_start3A_21 : memref<1000x128xf32, #tpu.memory_space<hbm>>) target_semaphore(%run_scoped3A : memref<!tpu.dma_semaphore, #tpu.memory_space<semaphore_mem>>)
        %dma_wait3A = arith.constant 0 : i32
        %dma_wait3A_24 = tpu.memref_slice %arg5[%add3A_20, %dma_wait3A] : memref<20000x128xf32, #tpu.memory_space<hbm>> -> memref<1000x128xf32, #tpu.memory_space<hbm>>
        %dma_wait3A_25 = arith.constant 0 : i32
        %dma_wait3A_26 = tpu.memref_slice %arg6[%mul3A_0, %dma_wait3A_25] : memref<10000x128xf32, #tpu.memory_space<vmem_shared>> -> memref<1000x128xf32, #tpu.memory_space<vmem_shared>>
        tpu.wait_dma2 semaphore(%run_scoped3A : memref<!tpu.dma_semaphore, #tpu.memory_space<semaphore_mem>>) src(%dma_wait3A_26 : memref<1000x128xf32, #tpu.memory_space<vmem_shared>>) dst(%dma_wait3A_24 : memref<1000x128xf32, #tpu.memory_space<hbm>>)
        tpu.yield
      }) : () -> ()
    } else {
    }
    return
  }
}

module attributes {stable_mosaic.version = 14 : i64} {
  func.func @_tc1_body(%arg0: memref<32x10240xf32, #tpu.memory_space<vmem>>, %arg1: memref<10000x128xf32, #tpu.memory_space<vmem>>, %arg2: memref<128x128xf32, #tpu.memory_space<vmem>>, %arg3: memref<10000x1xf32, #tpu.memory_space<vmem>>, %arg4: memref<10000x128xf32, #tpu.memory_space<vmem>>) attributes {dimension_semantics = [], scalar_prefetch = 0 : i64, scratch_operands = 0 : i64, tpu.core_type = #tpu.core_type<tc>} {
    %get3A = arith.constant 0 : index
    %get3A_0 = arith.constant 0 : index
    %get3A_1 = vector.load %arg0[%get3A, %get3A_0] : memref<32x10240xf32, #tpu.memory_space<vmem>>, vector<32x10240xf32>
    %reduce_sum3A = arith.constant dense<0.000000e+00> : vector<10240xf32>
    %reduce_sum3A_2 = vector.multi_reduction <add>, %get3A_1, %reduce_sum3A [0] : vector<32x10240xf32> to vector<10240xf32>
    %slice3A = vector.extract_strided_slice %reduce_sum3A_2 {offsets = [0], sizes = [10000], strides = [1]} : vector<10240xf32> to vector<10000xf32>
    %add3A = arith.constant 1.000000e+00 : f32
    %add3A_3 = vector.broadcast %add3A : f32 to vector<10000xf32>
    %add3A_4 = arith.addf %slice3A, %add3A_3 : vector<10000xf32>
    %rsqrt3A = math.rsqrt %add3A_4 : vector<10000xf32>
    %broadcast_in_dim3A = vector.shape_cast %rsqrt3A : vector<10000xf32> to vector<10000x1xf32>
    %swap3A = arith.constant 0 : index
    %swap3A_5 = arith.constant 0 : index
    %swap3A_6 = vector.load %arg3[%swap3A, %swap3A_5] : memref<10000x1xf32, #tpu.memory_space<vmem>>, vector<10000x1xf32>
    tpu.vector_store %arg3[%swap3A, %swap3A_5], %broadcast_in_dim3A {strides = array<i32>} : memref<10000x1xf32, #tpu.memory_space<vmem>>, vector<10000x1xf32>,
    %get3A_7 = arith.constant 0 : index
    %get3A_8 = arith.constant 0 : index
    %get3A_9 = vector.load %arg1[%get3A_7, %get3A_8] : memref<10000x128xf32, #tpu.memory_space<vmem>>, vector<10000x128xf32>
    %get3A_10 = arith.constant 0 : index
    %get3A_11 = arith.constant 0 : index
    %get3A_12 = vector.load %arg2[%get3A_10, %get3A_11] : memref<128x128xf32, #tpu.memory_space<vmem>>, vector<128x128xf32>
    %dot_general3A = arith.constant dense<0.000000e+00> : vector<10000x128xf32>
    %dot_general3A_13 = tpu.matmul %get3A_9, %get3A_12, %dot_general3A {dimension_numbers = #tpu.dot_dimension_numbers<[1], [0], [0], [1], [0, 0, 1, 1], [], []>, transpose_lhs_hint = false} : vector<10000x128xf32>, vector<128x128xf32>, vector<10000x128xf32> -> vector<10000x128xf32>
    %mul3A = vector.broadcast %broadcast_in_dim3A : vector<10000x1xf32> to vector<10000x128xf32>
    %mul3A_14 = arith.mulf %dot_general3A_13, %mul3A : vector<10000x128xf32>
    %swap3A_15 = arith.constant 0 : index
    %swap3A_16 = arith.constant 0 : index
    %swap3A_17 = vector.load %arg4[%swap3A_15, %swap3A_16] : memref<10000x128xf32, #tpu.memory_space<vmem>>, vector<10000x128xf32>
    tpu.vector_store %arg4[%swap3A_15, %swap3A_16], %mul3A_14 {strides = array<i32>} : memref<10000x128xf32, #tpu.memory_space<vmem>>, vector<10000x128xf32>,
    return
  }
}

module attributes {stable_mosaic.version = 14 : i64} {
  func.func @_tc2_body(%arg0: memref<10000x1xf32, #tpu.memory_space<vmem>>, %arg1: memref<10000x128xf32, #tpu.memory_space<vmem>>, %arg2: memref<2x10000x128xf32, #tpu.memory_space<vmem>>, %arg3: memref<1x128xf32, #tpu.memory_space<vmem>>, %arg4: memref<1x128xf32, #tpu.memory_space<vmem>>, %arg5: memref<1x128xf32, #tpu.memory_space<vmem>>, %arg6: memref<128x128xf32, #tpu.memory_space<vmem>>, %arg7: memref<10000x128xf32, #tpu.memory_space<vmem>>) attributes {dimension_semantics = [], scalar_prefetch = 0 : i64, scratch_operands = 0 : i64, tpu.core_type = #tpu.core_type<tc>} {
    %get3A = arith.constant 0 : index
    %get3A_0 = arith.constant 0 : index
    %get3A_1 = vector.load %arg0[%get3A, %get3A_0] : memref<10000x1xf32, #tpu.memory_space<vmem>>, vector<10000x1xf32>
    %get3A_2 = arith.constant 0 : index
    %get3A_3 = arith.constant 0 : index
    %get3A_4 = arith.constant 0 : index
    %get3A_5 = vector.load %arg2[%get3A_2, %get3A_3, %get3A_4] : memref<2x10000x128xf32, #tpu.memory_space<vmem>>, vector<1x10000x128xf32>
    %get3A_6 = vector.shape_cast %get3A_5 : vector<1x10000x128xf32> to vector<10000x128xf32>
    %get3A_7 = arith.constant 1 : index
    %get3A_8 = arith.constant 0 : index
    %get3A_9 = arith.constant 0 : index
    %get3A_10 = vector.load %arg2[%get3A_7, %get3A_8, %get3A_9] : memref<2x10000x128xf32, #tpu.memory_space<vmem>>, vector<1x10000x128xf32>
    %get3A_11 = vector.shape_cast %get3A_10 : vector<1x10000x128xf32> to vector<10000x128xf32>
    %add3A = arith.addf %get3A_6, %get3A_11 : vector<10000x128xf32>
    %get3A_12 = arith.constant 0 : index
    %get3A_13 = arith.constant 0 : index
    %get3A_14 = vector.load %arg1[%get3A_12, %get3A_13] : memref<10000x128xf32, #tpu.memory_space<vmem>>, vector<10000x128xf32>
    %add3A_15 = arith.addf %add3A, %get3A_14 : vector<10000x128xf32>
    %mul3A = vector.broadcast %get3A_1 : vector<10000x1xf32> to vector<10000x128xf32>
    %mul3A_16 = arith.mulf %mul3A, %add3A_15 : vector<10000x128xf32>
    %get3A_17 = arith.constant 0 : index
    %get3A_18 = arith.constant 0 : index
    %get3A_19 = vector.load %arg3[%get3A_17, %get3A_18] : memref<1x128xf32, #tpu.memory_space<vmem>>, vector<1x128xf32>
    %add3A_20 = vector.broadcast %get3A_19 : vector<1x128xf32> to vector<10000x128xf32>
    %add3A_21 = arith.addf %mul3A_16, %add3A_20 : vector<10000x128xf32>
    %get3A_22 = arith.constant 0 : index
    %get3A_23 = arith.constant 0 : index
    %get3A_24 = vector.load %arg4[%get3A_22, %get3A_23] : memref<1x128xf32, #tpu.memory_space<vmem>>, vector<1x128xf32>
    %mul3A_25 = arith.constant 0.999994993 : f32
    %mul3A_26 = vector.broadcast %mul3A_25 : f32 to vector<1x128xf32>
    %mul3A_27 = arith.mulf %get3A_24, %mul3A_26 : vector<1x128xf32>
    %mul3A_28 = vector.broadcast %mul3A_27 : vector<1x128xf32> to vector<10000x128xf32>
    %mul3A_29 = arith.mulf %add3A_21, %mul3A_28 : vector<10000x128xf32>
    %get3A_30 = arith.constant 0 : index
    %get3A_31 = arith.constant 0 : index
    %get3A_32 = vector.load %arg5[%get3A_30, %get3A_31] : memref<1x128xf32, #tpu.memory_space<vmem>>, vector<1x128xf32>
    %add3A_33 = vector.broadcast %get3A_32 : vector<1x128xf32> to vector<10000x128xf32>
    %add3A_34 = arith.addf %mul3A_29, %add3A_33 : vector<10000x128xf32>
    %max3A = arith.constant 0.000000e+00 : f32
    %max3A_35 = vector.broadcast %max3A : f32 to vector<10000x128xf32>
    %max3A_36 = arith.maximumf %add3A_34, %max3A_35 : vector<10000x128xf32>
    %get3A_37 = arith.constant 0 : index
    %get3A_38 = arith.constant 0 : index
    %get3A_39 = vector.load %arg6[%get3A_37, %get3A_38] : memref<128x128xf32, #tpu.memory_space<vmem>>, vector<128x128xf32>
    %dot_general3A = arith.constant dense<0.000000e+00> : vector<10000x128xf32>
    %dot_general3A_40 = tpu.matmul %max3A_36, %get3A_39, %dot_general3A {dimension_numbers = #tpu.dot_dimension_numbers<[1], [0], [0], [1], [0, 0, 1, 1], [], []>, transpose_lhs_hint = false} : vector<10000x128xf32>, vector<128x128xf32>, vector<10000x128xf32> -> vector<10000x128xf32>
    %mul3A_41 = vector.broadcast %get3A_1 : vector<10000x1xf32> to vector<10000x128xf32>
    %mul3A_42 = arith.mulf %dot_general3A_40, %mul3A_41 : vector<10000x128xf32>
    %swap3A = arith.constant 0 : index
    %swap3A_43 = arith.constant 0 : index
    %swap3A_44 = vector.load %arg7[%swap3A, %swap3A_43] : memref<10000x128xf32, #tpu.memory_space<vmem>>, vector<10000x128xf32>
    tpu.vector_store %arg7[%swap3A, %swap3A_43], %mul3A_42 {strides = array<i32>} : memref<10000x128xf32, #tpu.memory_space<vmem>>, vector<10000x128xf32>,
    return
  }
}

module attributes {stable_mosaic.version = 14 : i64} {
  func.func @_tc3_body(%arg0: memref<10000x1xf32, #tpu.memory_space<vmem>>, %arg1: memref<10000x128xf32, #tpu.memory_space<vmem>>, %arg2: memref<2x10000x128xf32, #tpu.memory_space<vmem>>, %arg3: memref<1x128xf32, #tpu.memory_space<vmem>>, %arg4: memref<1x128xf32, #tpu.memory_space<vmem>>, %arg5: memref<1x128xf32, #tpu.memory_space<vmem>>, %arg6: memref<128x64xf32, #tpu.memory_space<vmem>>, %arg7: memref<1x64xf32, #tpu.memory_space<vmem>>, %arg8: memref<64x64xf32, #tpu.memory_space<vmem>>, %arg9: memref<1x64xf32, #tpu.memory_space<vmem>>, %arg10: memref<10000x64xf32, #tpu.memory_space<vmem>>) attributes {dimension_semantics = [], scalar_prefetch = 0 : i64, scratch_operands = 0 : i64, tpu.core_type = #tpu.core_type<tc>} {
    %get3A = arith.constant 0 : index
    %get3A_0 = arith.constant 0 : index
    %get3A_1 = vector.load %arg0[%get3A, %get3A_0] : memref<10000x1xf32, #tpu.memory_space<vmem>>, vector<10000x1xf32>
    %get3A_2 = arith.constant 0 : index
    %get3A_3 = arith.constant 0 : index
    %get3A_4 = arith.constant 0 : index
    %get3A_5 = vector.load %arg2[%get3A_2, %get3A_3, %get3A_4] : memref<2x10000x128xf32, #tpu.memory_space<vmem>>, vector<1x10000x128xf32>
    %get3A_6 = vector.shape_cast %get3A_5 : vector<1x10000x128xf32> to vector<10000x128xf32>
    %get3A_7 = arith.constant 1 : index
    %get3A_8 = arith.constant 0 : index
    %get3A_9 = arith.constant 0 : index
    %get3A_10 = vector.load %arg2[%get3A_7, %get3A_8, %get3A_9] : memref<2x10000x128xf32, #tpu.memory_space<vmem>>, vector<1x10000x128xf32>
    %get3A_11 = vector.shape_cast %get3A_10 : vector<1x10000x128xf32> to vector<10000x128xf32>
    %add3A = arith.addf %get3A_6, %get3A_11 : vector<10000x128xf32>
    %get3A_12 = arith.constant 0 : index
    %get3A_13 = arith.constant 0 : index
    %get3A_14 = vector.load %arg1[%get3A_12, %get3A_13] : memref<10000x128xf32, #tpu.memory_space<vmem>>, vector<10000x128xf32>
    %add3A_15 = arith.addf %add3A, %get3A_14 : vector<10000x128xf32>
    %mul3A = vector.broadcast %get3A_1 : vector<10000x1xf32> to vector<10000x128xf32>
    %mul3A_16 = arith.mulf %mul3A, %add3A_15 : vector<10000x128xf32>
    %get3A_17 = arith.constant 0 : index
    %get3A_18 = arith.constant 0 : index
    %get3A_19 = vector.load %arg3[%get3A_17, %get3A_18] : memref<1x128xf32, #tpu.memory_space<vmem>>, vector<1x128xf32>
    %add3A_20 = vector.broadcast %get3A_19 : vector<1x128xf32> to vector<10000x128xf32>
    %add3A_21 = arith.addf %mul3A_16, %add3A_20 : vector<10000x128xf32>
    %get3A_22 = arith.constant 0 : index
    %get3A_23 = arith.constant 0 : index
    %get3A_24 = vector.load %arg4[%get3A_22, %get3A_23] : memref<1x128xf32, #tpu.memory_space<vmem>>, vector<1x128xf32>
    %mul3A_25 = arith.constant 0.999994993 : f32
    %mul3A_26 = vector.broadcast %mul3A_25 : f32 to vector<1x128xf32>
    %mul3A_27 = arith.mulf %get3A_24, %mul3A_26 : vector<1x128xf32>
    %mul3A_28 = vector.broadcast %mul3A_27 : vector<1x128xf32> to vector<10000x128xf32>
    %mul3A_29 = arith.mulf %add3A_21, %mul3A_28 : vector<10000x128xf32>
    %get3A_30 = arith.constant 0 : index
    %get3A_31 = arith.constant 0 : index
    %get3A_32 = vector.load %arg5[%get3A_30, %get3A_31] : memref<1x128xf32, #tpu.memory_space<vmem>>, vector<1x128xf32>
    %add3A_33 = vector.broadcast %get3A_32 : vector<1x128xf32> to vector<10000x128xf32>
    %add3A_34 = arith.addf %mul3A_29, %add3A_33 : vector<10000x128xf32>
    %max3A = arith.constant 0.000000e+00 : f32
    %max3A_35 = vector.broadcast %max3A : f32 to vector<10000x128xf32>
    %max3A_36 = arith.maximumf %add3A_34, %max3A_35 : vector<10000x128xf32>
    %get3A_37 = arith.constant 0 : index
    %get3A_38 = arith.constant 0 : index
    %get3A_39 = vector.load %arg6[%get3A_37, %get3A_38] : memref<128x64xf32, #tpu.memory_space<vmem>>, vector<128x64xf32>
    %dot_general3A = arith.constant dense<0.000000e+00> : vector<10000x64xf32>
    %dot_general3A_40 = tpu.matmul %max3A_36, %get3A_39, %dot_general3A {dimension_numbers = #tpu.dot_dimension_numbers<[1], [0], [0], [1], [0, 0, 1, 1], [], []>, transpose_lhs_hint = false} : vector<10000x128xf32>, vector<128x64xf32>, vector<10000x64xf32> -> vector<10000x64xf32>
    %get3A_41 = arith.constant 0 : index
    %get3A_42 = arith.constant 0 : index
    %get3A_43 = vector.load %arg7[%get3A_41, %get3A_42] : memref<1x64xf32, #tpu.memory_space<vmem>>, vector<1x64xf32>
    %add3A_44 = vector.broadcast %get3A_43 : vector<1x64xf32> to vector<10000x64xf32>
    %add3A_45 = arith.addf %dot_general3A_40, %add3A_44 : vector<10000x64xf32>
    %max3A_46 = arith.constant 0.000000e+00 : f32
    %max3A_47 = vector.broadcast %max3A_46 : f32 to vector<10000x64xf32>
    %max3A_48 = arith.maximumf %add3A_45, %max3A_47 : vector<10000x64xf32>
    %get3A_49 = arith.constant 0 : index
    %get3A_50 = arith.constant 0 : index
    %get3A_51 = vector.load %arg8[%get3A_49, %get3A_50] : memref<64x64xf32, #tpu.memory_space<vmem>>, vector<64x64xf32>
    %dot_general3A_52 = arith.constant dense<0.000000e+00> : vector<10000x64xf32>
    %dot_general3A_53 = tpu.matmul %max3A_48, %get3A_51, %dot_general3A_52 {dimension_numbers = #tpu.dot_dimension_numbers<[1], [0], [0], [1], [0, 0, 1, 1], [], []>, transpose_lhs_hint = false} : vector<10000x64xf32>, vector<64x64xf32>, vector<10000x64xf32> -> vector<10000x64xf32>
    %get3A_54 = arith.constant 0 : index
    %get3A_55 = arith.constant 0 : index
    %get3A_56 = vector.load %arg9[%get3A_54, %get3A_55] : memref<1x64xf32, #tpu.memory_space<vmem>>, vector<1x64xf32>
    %add3A_57 = vector.broadcast %get3A_56 : vector<1x64xf32> to vector<10000x64xf32>
    %add3A_58 = arith.addf %dot_general3A_53, %add3A_57 : vector<10000x64xf32>
    %swap3A = arith.constant 0 : index
    %swap3A_59 = arith.constant 0 : index
    %swap3A_60 = vector.load %arg10[%swap3A, %swap3A_59] : memref<10000x64xf32, #tpu.memory_space<vmem>>, vector<10000x64xf32>
    tpu.vector_store %arg10[%swap3A, %swap3A_59], %add3A_58 {strides = array<i32>} : memref<10000x64xf32, #tpu.memory_space<vmem>>, vector<10000x64xf32>,
    return
  }
}

</mosaic_0001>

<sc_bundles>
// kernel: gcn_degree_hist.3.cloned.1.call-start
scs
__scs_entry_jumppad:
0x0: {  	(pc) =	sbr.rel $0x88, $3  }
0x1: {  	(tag) =	ssettag $0x0;
	lr =	simm.s32 $0x1  }
0x2: {  	[smem:$0x3F93] =	sst lr;
	_ =	strace $0xD0000000  }
0x3: {  	_ = 	snop  }
0x4: {  	_ = 	snop  }
0x5: {  	_ = 	snop  }
0x6: {  	_ = 	snop  }
0x7: {  	_ = 	snop  }
__scs_overlays_trampoline_lowered:
0x8: {  	[smem:$0x3FA2] =	sst s0  }
0x9: {  	[smem:$0x3FA3] =	sst s1  }
0xa: {  	[smem:$0x3FA4] =	sst s2  }
0xb: {  	[smem:$0x3FA5] =	sst s3  }
0xc: {  	[smem:$0x3FA6] =	sst s4  }
0xd: {  	[smem:$0x3FA7] =	sst s5  }
0xe: {  	[smem:$0x3FA8] =	sst s6  }
0xf: {  	[smem:$0x3FA9] =	sst s7  }
0x10: {  	[smem:$0x3FAA] =	sst s8  }
0x11: {  	[smem:$0x3FAB] =	sst s9;
	s0 =	simm.s32 @!p0 $0x0  }
0x12: {  	s1 =	sld [smem:$0x3F91];
	s0 =	simm.s32 @p0 $0x1  }
0x13: {  	[smem:$0x3FAC] =	sst s0;
	s0 =	simm.s32 @!p1 $0x0  }
0x14: {  	s2 =	sld [smem:$0x3F90];
	s0 =	simm.s32 @p1 $0x1  }
0x15: {  	[smem:$0x3FAD] =	sst s0;
	s0 =	simm.s32 @!p2 $0x0  }
0x16: {  	s3 =	sld [smem:$0x3FDB];
	s0 =	simm.s32 @p2 $0x1  }
0x17: {  	s4 =	simm.s32 $0x1BF5;
	[smem:$0x3FAF] =	sst s0  }
0x18: {  	s0 =	sld [smem:$0x3F92];
	_ =	swait.ge [sflag:s4], $0x0  }
0x19: {  	s7 =	sld [smem:$0x3F93]  }
0x1a: {  	s8 =	sadd.s32 $0xFFFFE003, lr  }
0x1b: {  	s9 =	sadd.s32 $0xFFFFFEF7, lr;
	s5 =	simm.s32 $0xFFFFFFFF;
	p2 =	slt.u32 s8, $0xFFFFF086  }
0x1c: {  	p1 =	slt.u32 s9, $0xF7A;
	s5 =	simm.s32 @!p2 $0x0  }
0x1d: {  	s5 =	simm.s32 @p1 $0x1;
	p0 =	seq.s32 s7, s2  }
0x1e: {  	s7 =	smul.u32 @!p0 $0xF7A, s2;
	p2 =	seq.s32 @!p0 s5, $0x0  }
0x1f: {  	s9 =	smul.u32 $0xF7A, s1;
	s8 =	simm.s32 @!p0 $0x1BF5;
	p2 =	por !p2, p0  }
0x20: {  	[sflag:s8] =	ssyncset.s32 @!p0 $0xFFFFF086;
	s6 =	sadd.s32 @!p0 s3, s7;
	s7 =	simm.s32 @!p0 $0x108  }
0x21: {  	s3 =	sadd.s32 s3, s9;
	s6 =	sadd.s32 @!p0 $0x88, s6;
	s7 =	simm.s32 @p2 $0x1082  }
0x22: {  	[simem:s7], [sflag:s8] =	dma.local @!p0 [hbm:s6], $0xF7A  }
0x23: {  	s9 =	sor.u32 $0xD0000000, s2;
	s6 =	simm.s32 $0x108;
	_ =	swait.ge @!p0 [sflag:s8], $0x0  }
0x24: {  	s3 =	sadd.s32 $0x88, s3;
	s6 =	simm.s32 @!p1 $0x1082;
	[sflag:s4] =	ssyncset.s32 $0xFFFFF086  }
0x25: {  	[simem:s6], [sflag:s4] =	dma.local [hbm:s3], $0xF7A  }
0x26: {  	[smem:$0x3F93] =	sst s1;
	(tag) =	ssettag s2;
	_ =	strace s9  }
0x27: {  	s1 =	sld [smem:$0x3FA3]  }
0x28: {  	s2 =	sld [smem:$0x3FA4]  }
0x29: {  	s4 =	sld [smem:$0x3FA6]  }
0x2a: {  	p0 =	seq.s32 s5, $0x0;
	s5 =	sld [smem:$0x3FA7]  }
0x2b: {  	s6 =	sld [smem:$0x3FA8]  }
0x2c: {  	s7 =	sld [smem:$0x3FA9]  }
0x2d: {  	s3 =	simm.s32 $0x108;
	s8 =	sld [smem:$0x3FAA]  }
0x2e: {  	s3 =	simm.s32 @!p0 $0x1082;
	s9 =	sld [smem:$0x3FAB]  }
0x2f: {  	lr =	sadd.s32 s0, s3;
	s0 =	sld [smem:$0x3FA2]  }
0x30: {  	s3 =	sld [smem:$0x3FA5]  }
0x31: {  	[smem:$0x3FAE] =	sst s10  }
0x32: {  	s10 =	sld [smem:$0x3FAC];
	_ =	sdelay $0x3  }
0x33: {  	p0 =	seq.s32 s10, $0x1;
	s10 =	sld [smem:$0x3FAE];
	_ =	sdelay $0x3  }
0x34: {  	[smem:$0x3FAE] =	sst s10  }
0x35: {  	s10 =	sld [smem:$0x3FAD];
	_ =	sdelay $0x3  }
0x36: {  	p1 =	seq.s32 s10, $0x1;
	s10 =	sld [smem:$0x3FAE];
	_ =	sdelay $0x3  }
0x37: {  	[smem:$0x3FAE] =	sst s10  }
0x38: {  	s10 =	sld [smem:$0x3FAF]  }
0x39: {  	_ = 	snop;
	(pc) =	sbr.ind lr, $3  }
0x3a: {  	_ = 	snop  }
0x3b: {  	_ = 	snop  }
0x3c: {  	p2 =	seq.s32 s10, $0x1;
	s10 =	sld [smem:$0x3FAE]  }
0x3d: {  	_ =	shalt  }
0x3e: {  	_ =	shalt  }
0x3f: {  	_ =	shalt  }
0x40: {  	_ =	shalt  }
0x41: {  	_ =	shalt  }
0x42: {  	_ =	shalt  }
0x43: {  	_ =	shalt  }
0x44: {  	_ =	shalt  }
0x45: {  	_ =	shalt  }
0x46: {  	_ =	shalt  }
0x47: {  	_ =	shalt  }
0x48: {  	_ =	shalt  }
0x49: {  	_ =	shalt  }
0x4a: {  	_ =	shalt  }
0x4b: {  	_ =	shalt  }
0x4c: {  	_ =	shalt  }
0x4d: {  	_ =	shalt  }
0x4e: {  	_ =	shalt  }
0x4f: {  	_ =	shalt  }
0x50: {  	_ =	shalt  }
0x51: {  	_ =	shalt  }
0x52: {  	_ =	shalt  }
0x53: {  	_ =	shalt  }
0x54: {  	_ =	shalt  }
0x55: {  	_ =	shalt  }
0x56: {  	_ =	shalt  }
0x57: {  	_ =	shalt  }
0x58: {  	_ =	shalt  }
0x59: {  	_ =	shalt  }
0x5a: {  	_ =	shalt  }
0x5b: {  	_ =	shalt  }
0x5c: {  	_ =	shalt  }
0x5d: {  	_ =	shalt  }
0x5e: {  	_ =	shalt  }
0x5f: {  	_ =	shalt  }
0x60: {  	_ =	shalt  }
0x61: {  	_ =	shalt  }
0x62: {  	_ =	shalt  }
0x63: {  	_ =	shalt  }
0x64: {  	_ =	shalt  }
0x65: {  	_ =	shalt  }
0x66: {  	_ =	shalt  }
0x67: {  	_ =	shalt  }
0x68: {  	_ =	shalt  }
0x69: {  	_ =	shalt  }
0x6a: {  	_ =	shalt  }
0x6b: {  	_ =	shalt  }
0x6c: {  	_ =	shalt  }
0x6d: {  	_ =	shalt  }
0x6e: {  	_ =	shalt  }
0x6f: {  	_ =	shalt  }
0x70: {  	_ =	shalt  }
0x71: {  	_ =	shalt  }
0x72: {  	_ =	shalt  }
0x73: {  	_ =	shalt  }
0x74: {  	_ =	shalt  }
0x75: {  	_ =	shalt  }
0x76: {  	_ =	shalt  }
0x77: {  	_ =	shalt  }
0x78: {  	_ =	shalt  }
0x79: {  	_ =	shalt  }
0x7a: {  	_ =	shalt  }
0x7b: {  	_ =	shalt  }
0x7c: {  	_ =	shalt  }
0x7d: {  	_ =	shalt  }
0x7e: {  	_ =	shalt  }
0x7f: {  	_ =	shalt  }
0x80: {  	_ =	shalt  }
0x81: {  	_ =	shalt  }
0x82: {  	_ =	shalt  }
0x83: {  	_ =	shalt  }
0x84: {  	_ =	shalt  }
0x85: {  	_ =	shalt  }
0x86: {  	_ =	shalt  }
0x87: {  	_ =	shalt  }
.Lfunc_end0:
.L_simem_size_0:
called_computation_lowered:
.L_overlay_start_0:
0x88: {  	s2 =	sld [smem:$0x3FD9]  }
0x89: {  	s3 =	sld [smem:$0x3FFE];
	_ =	sdelay $0x1  }
0x8a: {  	s1 =	srdreg.scid  }
0x8b: {  	s0 =	sand.u32 $0x1, s1  }
0x8c: {  	s17 =	sshll.u32 s0, $0xA;
	s2 =	sadd.s32 s3, s2  }
0x8d: {  	s2 =	sadd.s32 s2, s17  }
0x8e: {  	[smem:$0x3FBA] =	sst s2  }
0x8f: {  	_ = 	snop  }
0x90: {  	s2 =	sld [smem:$0x3FD0];
	(tm) =	ssettm $0x1  }
0x91: {  	s18 =	sld [smem:$0x3FFB];
	_ =	sdelay $0x3  }
0x92: {  	_ =	strace s18  }
0x93: {  	s3 =	sld [smem:$0x3FFC];
	_ =	sdelay $0x3  }
0x94: {  	_ =	strace s3  }
0x95: {  	s3 =	sld [smem:$0x3FFD];
	_ =	sdelay $0x3  }
0x96: {  	_ =	strace s3  }
0x97: {  	_ =	strace $0x8FFFFFFF  }
0x98: {  	s19 =	sld [smem:$0x3FDB];
	_ =	sdelay $0x1  }
0x99: {  	s4 =	simm.s32 $_scs_section_size  }
0x9a: {  	s5 =	simm.s32 $_size__tile_overlayer_lowered;
	s6 =	simm.s32 $_tile_overlayer_lowered  }
0x9b: {  	s22 =	simm.s32 $0x1BFF;
	s21 =	sshll.u32 s6, $0x1;
	s3 =	sadd.s32 s4, s19  }
0x9c: {  	s7 =	simm.s32 $0x0;
	s20 =	sshll.u32 s5, $0x1;
	s5 =	sadd.s32 s21, s3  }
0x9d: {  	[timem:s7], [sflag:s22] =	dma.local [hbm:s5], s20  }
0x9e: {  	_ =	swait.ge [sflag:s22], s20  }
0x9f: {  	s4 =	ssub.s32 $0x0, s20;
	[sflag:s22] =	ssyncset.done $0x0  }
0xa0: {  	[sflag:s22] =	ssyncadd.s32 s4;
	_ =	sdelay $0x1  }
0xa1: {  	s23 =	simm.s32 $0x1B8B  }
0xa2: {  	_ =	swait.ge [sflag:s23], $0x1  }
0xa3: {  	[sflag:s23] =	ssyncset.done $0x0  }
0xa4: {  	s25 =	simm.s32 $0x1B8E;
	s24 =	sld [smem:$0x3FFE];
	[sflag:s23] =	ssyncadd.s32 $0xFFFFFFFF  }
0xa5: {  	s26 =	simm.s32 $execute0_lowered;
	[smem:$0x3FD2] =	sst s25  }
0xa6: {  	s5 =	sshll.u32 s26, $0x1;
	_ =	strace $0x80000046;
	[dreg:$0x1] =	wrdreg $0xFFFFFFFF  }
0xa7: {  	s28 =	simm.s32 $_size_execute0_lowered;
	s3 =	sadd.s32 s3, s5;
	[dreg:$0x0] =	wrdreg $0x0  }
0xa8: {  	s5 =	sshll.u32 s28, $0x1;
	[dreg:$0x2] =	wrdreg s3  }
0xa9: {  	[dreg:$0x3] =	wrdreg s5  }
0xaa: {  	[dreg:$0x4] =	wrdreg $0xC0  }
0xab: {  	_ =	task [dreg:s7], $0x5FFFF  }
0xac: {  	[dreg:$0x1] =	wrdreg $0xFFFFFFFF  }
0xad: {  	[dreg:$0x0] =	wrdreg $0x60  }
0xae: {  	[dreg:$0x2] =	wrdreg s2  }
0xaf: {  	[dreg:$0x3] =	wrdreg s24  }
0xb0: {  	[dreg:$0x4] =	wrdreg $0x9  }
0xb1: {  	_ =	task.clear_ibuf [dreg:s7], $0x5FFFF;
	_ =	strace $0x90000046  }
0xb2: {  	s29 =	simm.s32 $0x9;
	_ =	strace $0x80000048  }
0xb3: {  	_ =	swait.ge [sflag:s29], $0x1  }
0xb4: {  	[sflag:s29] =	ssyncadd.s32 $0xFFFFFFFF  }
0xb5: {  	_ =	strace $0x90000048  }
0xb6: {  	_ =	sfence  }
0xb7: {  	s30 =	sld [smem:$0x0];
	_ =	sdelay $0x2  }
0xb8: {  	s31 =	sshll.u32 s1, $0xD;
	s1 =	sshrl.u32 s1, $0x2  }
0xb9: {  	s3 =	sand.u32 $0x4000, s31;
	s1 =	sadd.s32 s1, s30  }
0xba: {  	s0 =	sor.u32 s3, s0;
	s1 =	sshll.u32 s1, $0x11  }
0xbb: {  	s0 =	sor.u32 s1, s0  }
0xbc: {  	s0 =	sadd.s32 $0x8F2B, s0  }
0xbd: {  	[sflag:s0] =	ssyncadd.remote.s32 $0x1  }
0xbe: {  	_ =	sfence.sel $0xFFFF  }
0xbf: {  	[dreg:$0x0] =	wrdreg $0xFFFFFFFF;
	(pc) =	sbr.abs _section_cstart, $3  }
0xc0: {  	[dreg:$0x1] =	wrdreg $0xFFFFFFFF  }
0xc1: {  	_ =	task.clear_ibuf [dreg:s7], $0x2FFFF;
	_ =	strace $0x9FFFFFFF  }
0xc2: {  	(tm) =	ssettm $0x7FFFFFFF  }
0xc3: {  	_ =	shalt  }
tec
execute0_lowered:
.L_overlay_start_1:
0x0: {  	(tag) =	ssettag $0x1  }
0x1: {  	s0 =	srdreg.scid  }
0x2: {  	s3 =	sand.u32 $0x1, s0  }
0x3: {  	s0 =	stileid.u32;
	s1 =	sshll.u32 s3, $0x4  }
0x4: {  	s5 =	rddreg [dreg:$0x0];
	s4 =	sor.u32 s0, s1  }
0x5: {  	s6 =	rddreg [dreg:$0x1];
	s2 =	simm.s32 $0x0;
	s1 =	sshrl.u32 s4, $0x3  }
0x6: {  	s9 =	simm.s32 $0x400;
	s8 =	sshll.u32 s0, $0x7;
	s7 =	smul.u32 $0x14000, s1  }
0x7: {  	s10 =	simm.s32 $0x0;
	s3 =	ssub.s32 $0x2, s3;
	s8 =	sand.u32 $0x380, s8  }
0x8: {  	[smem:$0x7FF] =	sst s2;
	s31 =	sshrl.u32 s3, $0x1;
	s7 =	sor.u32 s8, s7  }
0x9: {  	s4 =	smul.u32 $0x500, s4;
	s1 =	rddreg [dreg:$0x2];
	s7 =	sshrl.u32 s7, $0x3  }
0xa: {  	_ =	strace $0x80000047;
	s8 =	simm.s32 $0x80;
	s6 =	sadd.s32 s7, s6  }
0xb: {  	s7 =	ssub.s32 s3, s31;
	s3 =	sadd.s32 s5, s4;
	s4 =	sadd.s32 $0x3600, s6  }
0xc: {  	v0 =	vimm.f32 $0.0e+00;
	v1 =	vimm.f32 $1.000000000e+00;
	s5 =	smax.u32 s7, $0x1;
	s6 =	simm.s32 $0x2800;
	s7 =	simm.s32 $0x1  }
.LBB2_1:
0xd: {  	[tilespmem:s6], [sflag:$0x1] =	stream.linear.gather [hbm4b:s3+s2], $0x2800, $0x38;
	[tilespmem:$0x5000] =	vst v63  }
0xe: {  	_ =	swait.ge [sflag:s7], $0x2800  }
0xf: {  	[sflag:s7] =	ssyncset.done $0x0  }
0x10: {  	s11 =	simm.s32 $0x0;
	[sflag:s7] =	ssyncadd.s32 $0xFFFFD800  }
.LBB2_2:
0x11: {  	p0 =	sne.s32 s11, $0x9FC0  }
.Ltmp0:
0x12: {  	_ = 	snop;
	(pc) =	sbr.rel @p0 .LBB2_2-.Ltmp0, $3  }
0x13: {  	_ =	sdelay $0x1  }
0x14: {  	s12 =	sshra.s32 s11, $0x2  }
0x15: {  	s11 =	sadd.s32 $0x40, s11;
	[tilespmem:s12+$0x0] =	vst v0  }
0x16: {  	s11 =	simm.s32 $0x0  }
.LBB2_4:
0x17: {  	s12 =	sshra.s32 s11, $0x2  }
0x18: {  	v2 =	vld [tilespmem:s12+$0x2800];
	_ =	sdelay $0x7  }
0x19: {  	[tilespmem:v2+s2+$0x0] =	vst.idx.add.f32.msk $0xffff, v1  }
0x1a: {  	v2 =	vld [tilespmem:s12+$0x2810];
	_ =	sdelay $0x7  }
0x1b: {  	[tilespmem:v2+s2+$0x0] =	vst.idx.add.f32.msk $0xffff, v1  }
0x1c: {  	v2 =	vld [tilespmem:s12+$0x2820];
	_ =	sdelay $0x7  }
0x1d: {  	[tilespmem:v2+s2+$0x0] =	vst.idx.add.f32.msk $0xffff, v1  }
0x1e: {  	v2 =	vld [tilespmem:s12+$0x2830];
	_ =	sdelay $0x7  }
0x1f: {  	[tilespmem:v2+s2+$0x0] =	vst.idx.add.f32.msk $0xffff, v1  }
0x20: {  	v2 =	vld [tilespmem:s12+$0x2840];
	_ =	sdelay $0x7  }
0x21: {  	[tilespmem:v2+s2+$0x0] =	vst.idx.add.f32.msk $0xffff, v1  }
0x22: {  	v2 =	vld [tilespmem:s12+$0x2850];
	_ =	sdelay $0x7  }
0x23: {  	[tilespmem:v2+s2+$0x0] =	vst.idx.add.f32.msk $0xffff, v1  }
0x24: {  	v2 =	vld [tilespmem:s12+$0x2860];
	_ =	sdelay $0x7  }
0x25: {  	[tilespmem:v2+s2+$0x0] =	vst.idx.add.f32.msk $0xffff, v1  }
0x26: {  	v2 =	vld [tilespmem:s12+$0x2870];
	_ =	sdelay $0x2  }
0x27: {  	p0 =	sne.s32 s11, $0x9E00  }
.Ltmp1:
0x28: {  	_ = 	snop;
	(pc) =	sbr.rel @p0 .LBB2_4-.Ltmp1, $2  }
0x29: {  	_ =	sdelay $0x2  }
0x2a: {  	s11 =	sadd.s32 $0x200, s11;
	[tilespmem:v2+s2+$0x0] =	vst.idx.add.f32.msk $0xffff, v1  }
0x2b: {  	s10 =	sadd.s32 $0x1, s10  }
0x2c: {  	p0 =	sne.s32 s10, s5  }
.Ltmp2:
0x2d: {  	_ = 	snop;
	(pc) =	sbr.rel @p0 .LBB2_1-.Ltmp2, $4  }
0x2e: {  	[hbm4b:s4+s8] =	stream.strided.scatter [tilespmem:s2], [sflag:$0x1], $0x2800, s9, s8, $0x38;
	[tilespmem:$0x5000] =	vst v63  }
0x2f: {  	_ =	swait.ge [sflag:s7], $0x2800  }
0x30: {  	[sflag:s7] =	ssyncset.done $0x0  }
0x31: {  	[sflag:s7] =	ssyncadd.s32 $0xFFFFD800  }
0x32: {  	_ =	sfence.sel $0x180000  }
0x33: {  	[bflag:$0x0] =	sbarrier.arrive $0xFFFF  }
0x34: {  	p0 =	sne.s32 s0, $0x0;
	_ =	strace $0x90000047  }
0x35: {  	s0 =	sadd.s32 @!p0 $0x100000, s1;
	[bflag:$0x2] =	sbarrier.arrive $0xFFFF  }
0x36: {  	[sflag:s0] =	ssyncadd.tile.s32 @!p0 $0x1;
	_ =	shalt  }
.Lfunc_end2:
_tile_overlayer_lowered:
.L_overlay_start_2:
0x37: {  	(tag) =	ssettag $0x2  }
0x38: {  	s0 =	rddreg [dreg:$0x0];
	s2 =	stileid.u32  }
0x39: {  	s1 =	rddreg [dreg:$0x1];
	p0 =	sne.s32 s2, $0x0  }
0x3a: {  	s3 =	rddreg [dreg:$0x2];
	[bflag:$0x3] =	sbarrier.arrive $0xFFFF;
	s2 =	simm.s32 @!p0 $0x1C01  }
0x3b: {  	[timem:s3], [sflag:s2] =	dma.local @!p0 [hbm:s0], s1  }
0x3c: {  	s0 =	simm.s32 @!p0 $0x1  }
0x3d: {  	_ =	swait.ge @!p0 [sflag:s0], s1  }
0x3e: {  	s1 =	ssub.s32 @!p0 $0x0, s1;
	[sflag:s0] =	ssyncset.done @!p0 $0x0  }
0x3f: {  	[sflag:s0] =	ssyncadd.s32 @!p0 s1  }
0x40: {  	[bflag:$0x3] =	sbarrier.arrive $0xFFFF  }
0x41: {  	_ =	shalt  }

// kernel: gcn_scatter_agg.4.cloned.1.call-start
scs
__scs_entry_jumppad:
0x0: {  	(pc) =	sbr.rel $0x88, $3  }
0x1: {  	(tag) =	ssettag $0x0;
	lr =	simm.s32 $0x1  }
0x2: {  	[smem:$0x3F93] =	sst lr;
	_ =	strace $0xD0000000  }
0x3: {  	_ = 	snop  }
0x4: {  	_ = 	snop  }
0x5: {  	_ = 	snop  }
0x6: {  	_ = 	snop  }
0x7: {  	_ = 	snop  }
__scs_overlays_trampoline_lowered:
0x8: {  	[smem:$0x3FA2] =	sst s0  }
0x9: {  	[smem:$0x3FA3] =	sst s1  }
0xa: {  	[smem:$0x3FA4] =	sst s2  }
0xb: {  	[smem:$0x3FA5] =	sst s3  }
0xc: {  	[smem:$0x3FA6] =	sst s4  }
0xd: {  	[smem:$0x3FA7] =	sst s5  }
0xe: {  	[smem:$0x3FA8] =	sst s6  }
0xf: {  	[smem:$0x3FA9] =	sst s7  }
0x10: {  	[smem:$0x3FAA] =	sst s8  }
0x11: {  	[smem:$0x3FAB] =	sst s9;
	s0 =	simm.s32 @!p0 $0x0  }
0x12: {  	s1 =	sld [smem:$0x3F91];
	s0 =	simm.s32 @p0 $0x1  }
0x13: {  	[smem:$0x3FAC] =	sst s0;
	s0 =	simm.s32 @!p1 $0x0  }
0x14: {  	s2 =	sld [smem:$0x3F90];
	s0 =	simm.s32 @p1 $0x1  }
0x15: {  	[smem:$0x3FAD] =	sst s0;
	s0 =	simm.s32 @!p2 $0x0  }
0x16: {  	s3 =	sld [smem:$0x3FDB];
	s0 =	simm.s32 @p2 $0x1  }
0x17: {  	s4 =	simm.s32 $0x1BF5;
	[smem:$0x3FAF] =	sst s0  }
0x18: {  	s0 =	sld [smem:$0x3F92];
	_ =	swait.ge [sflag:s4], $0x0  }
0x19: {  	s7 =	sld [smem:$0x3F93]  }
0x1a: {  	s8 =	sadd.s32 $0xFFFFE003, lr  }
0x1b: {  	s9 =	sadd.s32 $0xFFFFFEF7, lr;
	s5 =	simm.s32 $0xFFFFFFFF;
	p2 =	slt.u32 s8, $0xFFFFF086  }
0x1c: {  	p1 =	slt.u32 s9, $0xF7A;
	s5 =	simm.s32 @!p2 $0x0  }
0x1d: {  	s5 =	simm.s32 @p1 $0x1;
	p0 =	seq.s32 s7, s2  }
0x1e: {  	s7 =	smul.u32 @!p0 $0xF7A, s2;
	p2 =	seq.s32 @!p0 s5, $0x0  }
0x1f: {  	s9 =	smul.u32 $0xF7A, s1;
	s8 =	simm.s32 @!p0 $0x1BF5;
	p2 =	por !p2, p0  }
0x20: {  	[sflag:s8] =	ssyncset.s32 @!p0 $0xFFFFF086;
	s6 =	sadd.s32 @!p0 s3, s7;
	s7 =	simm.s32 @!p0 $0x108  }
0x21: {  	s3 =	sadd.s32 s3, s9;
	s6 =	sadd.s32 @!p0 $0x88, s6;
	s7 =	simm.s32 @p2 $0x1082  }
0x22: {  	[simem:s7], [sflag:s8] =	dma.local @!p0 [hbm:s6], $0xF7A  }
0x23: {  	s9 =	sor.u32 $0xD0000000, s2;
	s6 =	simm.s32 $0x108;
	_ =	swait.ge @!p0 [sflag:s8], $0x0  }
0x24: {  	s3 =	sadd.s32 $0x88, s3;
	s6 =	simm.s32 @!p1 $0x1082;
	[sflag:s4] =	ssyncset.s32 $0xFFFFF086  }
0x25: {  	[simem:s6], [sflag:s4] =	dma.local [hbm:s3], $0xF7A  }
0x26: {  	[smem:$0x3F93] =	sst s1;
	(tag) =	ssettag s2;
	_ =	strace s9  }
0x27: {  	s1 =	sld [smem:$0x3FA3]  }
0x28: {  	s2 =	sld [smem:$0x3FA4]  }
0x29: {  	s4 =	sld [smem:$0x3FA6]  }
0x2a: {  	p0 =	seq.s32 s5, $0x0;
	s5 =	sld [smem:$0x3FA7]  }
0x2b: {  	s6 =	sld [smem:$0x3FA8]  }
0x2c: {  	s7 =	sld [smem:$0x3FA9]  }
0x2d: {  	s3 =	simm.s32 $0x108;
	s8 =	sld [smem:$0x3FAA]  }
0x2e: {  	s3 =	simm.s32 @!p0 $0x1082;
	s9 =	sld [smem:$0x3FAB]  }
0x2f: {  	lr =	sadd.s32 s0, s3;
	s0 =	sld [smem:$0x3FA2]  }
0x30: {  	s3 =	sld [smem:$0x3FA5]  }
0x31: {  	[smem:$0x3FAE] =	sst s10  }
0x32: {  	s10 =	sld [smem:$0x3FAC];
	_ =	sdelay $0x3  }
0x33: {  	p0 =	seq.s32 s10, $0x1;
	s10 =	sld [smem:$0x3FAE];
	_ =	sdelay $0x3  }
0x34: {  	[smem:$0x3FAE] =	sst s10  }
0x35: {  	s10 =	sld [smem:$0x3FAD];
	_ =	sdelay $0x3  }
0x36: {  	p1 =	seq.s32 s10, $0x1;
	s10 =	sld [smem:$0x3FAE];
	_ =	sdelay $0x3  }
0x37: {  	[smem:$0x3FAE] =	sst s10  }
0x38: {  	s10 =	sld [smem:$0x3FAF]  }
0x39: {  	_ = 	snop;
	(pc) =	sbr.ind lr, $3  }
0x3a: {  	_ = 	snop  }
0x3b: {  	_ = 	snop  }
0x3c: {  	p2 =	seq.s32 s10, $0x1;
	s10 =	sld [smem:$0x3FAE]  }
0x3d: {  	_ =	shalt  }
0x3e: {  	_ =	shalt  }
0x3f: {  	_ =	shalt  }
0x40: {  	_ =	shalt  }
0x41: {  	_ =	shalt  }
0x42: {  	_ =	shalt  }
0x43: {  	_ =	shalt  }
0x44: {  	_ =	shalt  }
0x45: {  	_ =	shalt  }
0x46: {  	_ =	shalt  }
0x47: {  	_ =	shalt  }
0x48: {  	_ =	shalt  }
0x49: {  	_ =	shalt  }
0x4a: {  	_ =	shalt  }
0x4b: {  	_ =	shalt  }
0x4c: {  	_ =	shalt  }
0x4d: {  	_ =	shalt  }
0x4e: {  	_ =	shalt  }
0x4f: {  	_ =	shalt  }
0x50: {  	_ =	shalt  }
0x51: {  	_ =	shalt  }
0x52: {  	_ =	shalt  }
0x53: {  	_ =	shalt  }
0x54: {  	_ =	shalt  }
0x55: {  	_ =	shalt  }
0x56: {  	_ =	shalt  }
0x57: {  	_ =	shalt  }
0x58: {  	_ =	shalt  }
0x59: {  	_ =	shalt  }
0x5a: {  	_ =	shalt  }
0x5b: {  	_ =	shalt  }
0x5c: {  	_ =	shalt  }
0x5d: {  	_ =	shalt  }
0x5e: {  	_ =	shalt  }
0x5f: {  	_ =	shalt  }
0x60: {  	_ =	shalt  }
0x61: {  	_ =	shalt  }
0x62: {  	_ =	shalt  }
0x63: {  	_ =	shalt  }
0x64: {  	_ =	shalt  }
0x65: {  	_ =	shalt  }
0x66: {  	_ =	shalt  }
0x67: {  	_ =	shalt  }
0x68: {  	_ =	shalt  }
0x69: {  	_ =	shalt  }
0x6a: {  	_ =	shalt  }
0x6b: {  	_ =	shalt  }
0x6c: {  	_ =	shalt  }
0x6d: {  	_ =	shalt  }
0x6e: {  	_ =	shalt  }
0x6f: {  	_ =	shalt  }
0x70: {  	_ =	shalt  }
0x71: {  	_ =	shalt  }
0x72: {  	_ =	shalt  }
0x73: {  	_ =	shalt  }
0x74: {  	_ =	shalt  }
0x75: {  	_ =	shalt  }
0x76: {  	_ =	shalt  }
0x77: {  	_ =	shalt  }
0x78: {  	_ =	shalt  }
0x79: {  	_ =	shalt  }
0x7a: {  	_ =	shalt  }
0x7b: {  	_ =	shalt  }
0x7c: {  	_ =	shalt  }
0x7d: {  	_ =	shalt  }
0x7e: {  	_ =	shalt  }
0x7f: {  	_ =	shalt  }
0x80: {  	_ =	shalt  }
0x81: {  	_ =	shalt  }
0x82: {  	_ =	shalt  }
0x83: {  	_ =	shalt  }
0x84: {  	_ =	shalt  }
0x85: {  	_ =	shalt  }
0x86: {  	_ =	shalt  }
0x87: {  	_ =	shalt  }
.Lfunc_end0:
.L_simem_size_0:
called_computation.1_lowered:
.L_overlay_start_0:
0x88: {  	s2 =	sld [smem:$0x3FD9]  }
0x89: {  	s3 =	sld [smem:$0x3FFE];
	_ =	sdelay $0x1  }
0x8a: {  	s1 =	srdreg.scid  }
0x8b: {  	s0 =	sand.u32 $0x1, s1  }
0x8c: {  	s16 =	sshll.u32 s0, $0xA;
	s2 =	sadd.s32 s3, s2  }
0x8d: {  	s2 =	sadd.s32 s2, s16  }
0x8e: {  	[smem:$0x3FBA] =	sst s2  }
0x8f: {  	_ = 	snop  }
0x90: {  	(tm) =	ssettm $0x1  }
0x91: {  	s17 =	sld [smem:$0x3FFB];
	_ =	sdelay $0x3  }
0x92: {  	_ =	strace s17  }
0x93: {  	s2 =	sld [smem:$0x3FFC];
	_ =	sdelay $0x3  }
0x94: {  	_ =	strace s2  }
0x95: {  	s2 =	sld [smem:$0x3FFD];
	_ =	sdelay $0x3  }
0x96: {  	_ =	strace s2  }
0x97: {  	_ =	strace $0x8FFFFFFF  }
0x98: {  	s18 =	sld [smem:$0x3FDB];
	_ =	sdelay $0x1  }
0x99: {  	s19 =	simm.s32 $_scs_section_size  }
0x9a: {  	s4 =	simm.s32 $_size__tile_overlayer_lowered;
	s5 =	simm.s32 $_tile_overlayer_lowered  }
0x9b: {  	s22 =	simm.s32 $0x1BFF;
	s21 =	sshll.u32 s5, $0x1;
	s2 =	sadd.s32 s19, s18  }
0x9c: {  	s6 =	simm.s32 $0x0;
	s20 =	sshll.u32 s4, $0x1;
	s4 =	sadd.s32 s21, s2  }
0x9d: {  	[timem:s6], [sflag:s22] =	dma.local [hbm:s4], s20  }
0x9e: {  	_ =	swait.ge [sflag:s22], s20  }
0x9f: {  	s3 =	ssub.s32 $0x0, s20;
	[sflag:s22] =	ssyncset.done $0x0  }
0xa0: {  	[sflag:s22] =	ssyncadd.s32 s3;
	_ =	sdelay $0x1  }
0xa1: {  	s23 =	simm.s32 $0x1B8B  }
0xa2: {  	_ =	swait.ge [sflag:s23], $0x1  }
0xa3: {  	[sflag:s23] =	ssyncset.done $0x0  }
0xa4: {  	s25 =	simm.s32 $0x1B8E;
	s24 =	sld [smem:$0x3FFE];
	[sflag:s23] =	ssyncadd.s32 $0xFFFFFFFF  }
0xa5: {  	s26 =	simm.s32 $execute0_lowered;
	[smem:$0x3FD2] =	sst s25  }
0xa6: {  	s4 =	sshll.u32 s26, $0x1;
	_ =	strace $0x80000049;
	[dreg:$0x1] =	wrdreg $0xFFFFFFFF  }
0xa7: {  	s28 =	simm.s32 $_size_execute0_lowered;
	s2 =	sadd.s32 s2, s4;
	[dreg:$0x0] =	wrdreg $0x0  }
0xa8: {  	s4 =	sshll.u32 s28, $0x1;
	[dreg:$0x2] =	wrdreg s2  }
0xa9: {  	[dreg:$0x3] =	wrdreg s4  }
0xaa: {  	[dreg:$0x4] =	wrdreg $0xC0  }
0xab: {  	_ =	task [dreg:s6], $0x5FFFF  }
0xac: {  	[dreg:$0x1] =	wrdreg $0xFFFFFFFF  }
0xad: {  	[dreg:$0x0] =	wrdreg $0x60  }
0xae: {  	[dreg:$0x2] =	wrdreg s24  }
0xaf: {  	[dreg:$0x3] =	wrdreg $0x0  }
0xb0: {  	[dreg:$0x4] =	wrdreg $0x9  }
0xb1: {  	_ =	task.clear_ibuf [dreg:s6], $0x5FFFF;
	_ =	strace $0x90000049  }
0xb2: {  	s29 =	simm.s32 $0x9;
	_ =	strace $0x8000004B  }
0xb3: {  	_ =	swait.ge [sflag:s29], $0x1  }
0xb4: {  	[sflag:s29] =	ssyncadd.s32 $0xFFFFFFFF  }
0xb5: {  	_ =	strace $0x9000004B  }
0xb6: {  	_ =	sfence  }
0xb7: {  	s30 =	sld [smem:$0x0];
	_ =	sdelay $0x2  }
0xb8: {  	s31 =	sshll.u32 s1, $0xD;
	s1 =	sshrl.u32 s1, $0x2  }
0xb9: {  	s3 =	sand.u32 $0x4000, s31;
	s1 =	sadd.s32 s1, s30  }
0xba: {  	s0 =	sor.u32 s3, s0;
	s1 =	sshll.u32 s1, $0x11  }
0xbb: {  	s0 =	sor.u32 s1, s0  }
0xbc: {  	s0 =	sadd.s32 $0x8F2B, s0  }
0xbd: {  	[sflag:s0] =	ssyncadd.remote.s32 $0x1  }
0xbe: {  	_ =	sfence.sel $0xFFFF  }
0xbf: {  	[dreg:$0x0] =	wrdreg $0xFFFFFFFF;
	(pc) =	sbr.abs _section_cstart, $3  }
0xc0: {  	[dreg:$0x1] =	wrdreg $0xFFFFFFFF  }
0xc1: {  	_ =	task.clear_ibuf [dreg:s6], $0x2FFFF;
	_ =	strace $0x9FFFFFFF  }
0xc2: {  	(tm) =	ssettm $0x7FFFFFFF  }
0xc3: {  	_ =	shalt  }
tec
execute0_lowered:
.L_overlay_start_1:
0x0: {  	(tag) =	ssettag $0x1  }
0x1: {  	s0 =	rddreg [dreg:$0x0]  }
0x2: {  	s2 =	rddreg [dreg:$0x1];
	s4 =	simm.s32 $0x0;
	s3 =	srdreg.scid  }
0x3: {  	s1 =	stileid.u32;
	s19 =	simm.s32 $0x16080;
	s20 =	simm.s32 $0x3  }
0x4: {  	s28 =	simm.s32 $0x14C00;
	s29 =	simm.s32 $0x15F80;
	s30 =	simm.s32 $0x16000  }
0x5: {  	s31 =	simm.s32 $0x0;
	[smem:$0x7FF] =	sst s4;
	s5 =	smul.u32 $0x3E80, s1  }
0x6: {  	s3 =	sand.u32 $0x1, s3;
	s4 =	sadd.s32 $0x21600, s0;
	s7 =	smul.u32 $0x7D000, s1  }
0x7: {  	s17 =	sadd.s32 $0x17600, s0;
	s18 =	sadd.s32 $0xD600, s0;
	s13 =	smul.u32 $0x50, s1  }
0x8: {  	p0 =	sgt.u32 s1, $0x9;
	s6 =	smul.u32 $0x27100, s3;
	s21 =	ssub.s32 $0x2, s3  }
0x9: {  	_ =	strace $0x8000004A;
	s3 =	smul.u32 $0x500, s3;
	s22 =	sshrl.u32 s21, $0x1  }
0xa: {  	s7 =	sshrl.u32 s7, $0x2;
	s5 =	sadd.s32 s5, s6;
	s14 =	ssub.s32 s21, s22  }
0xb: {  	s3 =	sadd.s32 s13, s3;
	s21 =	simm.s32 $0x13880;
	s22 =	simm.s32 $0x14C80  }
0xc: {  	s0 =	sadd.s32 s5, s0;
	s5 =	sadd.s32 s7, s2;
	s14 =	smax.u32 s14, $0x1  }
0xd: {  	s26 =	sshll.u32 s3, $0x4;
	s23 =	sadd.s32 $0x3E80, s5;
	s24 =	sadd.s32 $0x7D00, s5  }
0xe: {  	s25 =	sadd.s32 $0xBB80, s5;
	s9 =	sadd.s32 $0xFA00, s5;
	s10 =	sadd.s32 $0x13880, s5  }
0xf: {  	s11 =	sadd.s32 $0x17700, s5;
	s12 =	sadd.s32 $0x1B580, s5;
	s13 =	sadd.s32 $0x48800, s0  }
0x10: {  	s15 =	sadd.s32 s17, s26;
	s16 =	sadd.s32 s18, s26;
	[dreg:$0x3] =	wrdreg s23  }
0x11: {  	s0 =	sadd.s32 $0x280, s26;
	s26 =	simm.s32 $0x2;
	[dreg:$0x4] =	wrdreg s24  }
0x12: {  	[dreg:$0x5] =	wrdreg s25;
	s17 =	sadd.s32 s17, s0;
	s18 =	sadd.s32 s18, s0  }
0x13: {  	v0 =	vimm.f32 $0.0e+00;
	s23 =	simm.s32 $0x7D;
	s24 =	simm.s32 $0x1A080;
	s25 =	simm.s32 $0x1  }
.LBB2_1:
.Ltmp0:
0x14: {  	(pc) =	sbr.rel @p0 .LBB2_5-.Ltmp0, $1  }
0x15: {  	_ =	sdelay $0x3  }
0x16: {  	s3 =	simm.s32 $0x0  }
0x17: {  	s0 =	sshra.s32 s3, $0x2;
	s3 =	sadd.s32 $0x200, s3  }
.LBB2_3:
0x18: {  	p1 =	sne.s32 s3, $0xF800;
	[tilespmem:s0+$0x160F0] =	vst v0  }
0x19: {  	[tilespmem:s0+$0x16080] =	vst v0  }
0x1a: {  	[tilespmem:s0+$0x16090] =	vst v0  }
.Ltmp1:
0x1b: {  	[tilespmem:s0+$0x160A0] =	vst v0;
	(pc) =	sbr.rel @p1 .LBB2_3-.Ltmp1, $4  }
0x1c: {  	[tilespmem:s0+$0x160B0] =	vst v0  }
0x1d: {  	[tilespmem:s0+$0x160C0] =	vst v0  }
0x1e: {  	[tilespmem:s0+$0x160D0] =	vst v0  }
0x1f: {  	[tilespmem:s0+$0x160E0] =	vst v0;
	s0 =	sshra.s32 s3, $0x2;
	s3 =	sadd.s32 $0x200, s3  }
0x20: {  	[tilespmem:s0+$0x160F0] =	vst v0  }
0x21: {  	[tilespmem:s0+$0x16080] =	vst v0  }
0x22: {  	[tilespmem:s0+$0x16090] =	vst v0  }
0x23: {  	[tilespmem:s0+$0x160A0] =	vst v0  }
0x24: {  	[tilespmem:s0+$0x160B0] =	vst v0  }
0x25: {  	[tilespmem:s0+$0x160C0] =	vst v0  }
0x26: {  	[tilespmem:s0+$0x160D0] =	vst v0  }
0x27: {  	[tilespmem:s0+$0x160E0] =	vst v0  }
0x28: {  	[spmem:s5] =	stream.linear.scatter [tilespmem:s19], [sflag:$0x3], $0x3E80, $0x38;
	[tilespmem:$0x1E080] =	vst v63  }
0x29: {  	_ =	swait.ge [sflag:s20], $0x3E80  }
0x2a: {  	[sflag:s20] =	ssyncset.done $0x0  }
0x2b: {  	s6 =	rddreg [dreg:$0x3];
	[sflag:s20] =	ssyncadd.s32 $0xFFFFC180  }
0x2c: {  	[spmem:s6] =	stream.linear.scatter [tilespmem:s19], [sflag:$0x3], $0x3E80, $0x38;
	[tilespmem:$0x1E080] =	vst v63  }
0x2d: {  	_ =	swait.ge [sflag:s20], $0x3E80  }
0x2e: {  	[sflag:s20] =	ssyncset.done $0x0  }
0x2f: {  	s7 =	rddreg [dreg:$0x4];
	[sflag:s20] =	ssyncadd.s32 $0xFFFFC180  }
0x30: {  	[spmem:s7] =	stream.linear.scatter [tilespmem:s19], [sflag:$0x3], $0x3E80, $0x38;
	[tilespmem:$0x1E080] =	vst v63  }
0x31: {  	_ =	swait.ge [sflag:s20], $0x3E80  }
0x32: {  	[sflag:s20] =	ssyncset.done $0x0  }
0x33: {  	s8 =	rddreg [dreg:$0x5];
	[sflag:s20] =	ssyncadd.s32 $0xFFFFC180  }
0x34: {  	[spmem:s8] =	stream.linear.scatter [tilespmem:s19], [sflag:$0x3], $0x3E80, $0x38;
	[tilespmem:$0x1E080] =	vst v63  }
0x35: {  	_ =	swait.ge [sflag:s20], $0x3E80  }
0x36: {  	[sflag:s20] =	ssyncset.done $0x0  }
0x37: {  	[sflag:s20] =	ssyncadd.s32 $0xFFFFC180  }
0x38: {  	[spmem:s9] =	stream.linear.scatter [tilespmem:s19], [sflag:$0x3], $0x3E80, $0x38;
	[tilespmem:$0x1E080] =	vst v63  }
0x39: {  	_ =	swait.ge [sflag:s20], $0x3E80  }
0x3a: {  	[sflag:s20] =	ssyncset.done $0x0  }
0x3b: {  	[sflag:s20] =	ssyncadd.s32 $0xFFFFC180  }
0x3c: {  	[spmem:s10] =	stream.linear.scatter [tilespmem:s19], [sflag:$0x3], $0x3E80, $0x38;
	[tilespmem:$0x1E080] =	vst v63  }
0x3d: {  	_ =	swait.ge [sflag:s20], $0x3E80  }
0x3e: {  	[sflag:s20] =	ssyncset.done $0x0  }
0x3f: {  	[sflag:s20] =	ssyncadd.s32 $0xFFFFC180  }
0x40: {  	[spmem:s11] =	stream.linear.scatter [tilespmem:s19], [sflag:$0x3], $0x3E80, $0x38;
	[tilespmem:$0x1E080] =	vst v63  }
0x41: {  	_ =	swait.ge [sflag:s20], $0x3E80  }
0x42: {  	[sflag:s20] =	ssyncset.done $0x0  }
0x43: {  	[sflag:s20] =	ssyncadd.s32 $0xFFFFC180  }
0x44: {  	[spmem:s12] =	stream.linear.scatter [tilespmem:s19], [sflag:$0x3], $0x3E80, $0x38;
	[tilespmem:$0x1E080] =	vst v63  }
0x45: {  	_ =	swait.ge [sflag:s20], $0x3E80  }
0x46: {  	[sflag:s20] =	ssyncset.done $0x0  }
0x47: {  	[sflag:s20] =	ssyncadd.s32 $0xFFFFC180  }
.LBB2_5:
0x48: {  	[bflag:$0x0] =	sbarrier.arrive $0xFFFF;
	s0 =	simm.s32 $0x0  }
0x49: {  	[tilespmem:s21], [sflag:$0x3] =	stream.linear.gather [hbm4b:s15+s0], $0x1400, $0x38;
	[tilespmem:$0x1E080] =	vst v63  }
0x4a: {  	_ =	swait.ge [sflag:s20], $0x1400  }
0x4b: {  	[sflag:s20] =	ssyncset.done $0x0  }
0x4c: {  	[sflag:s20] =	ssyncadd.s32 $0xFFFFEC00  }
0x4d: {  	[tilespmem:s22], [sflag:$0x3] =	stream.linear.gather [hbm4b:s16+s0], $0x1400, $0x38;
	[tilespmem:$0x1E080] =	vst v63  }
0x4e: {  	_ =	swait.ge [sflag:s20], $0x1400  }
0x4f: {  	[sflag:s20] =	ssyncset.done $0x0  }
0x50: {  	[sflag:s20] =	ssyncadd.s32 $0xFFFFEC00  }
0x51: {  	[tilespmem:s19], [sflag:$0x1] =	stream.indirect.gather [hbm4b:s4+s23], $0x80, s21, s23, $0xb8;
	[tilespmem:$0x1E080] =	vst v63  }
0x52: {  	s3 =	simm.s32 $0x13900  }
0x53: {  	[tilespmem:s24], [sflag:$0x2] =	stream.indirect.gather [hbm4b:s4+s23], $0x80, s3, s23, $0xb8;
	[tilespmem:$0x1E080] =	vst v63  }
0x54: {  	_ =	swait.ge [sflag:s25], $0x3E80  }
0x55: {  	[sflag:s25] =	ssyncset.done $0x0  }
0x56: {  	s6 =	simm.s32 $0x14C80;
	[sflag:s25] =	ssyncadd.s32 $0xFFFFC180  }
0x57: {  	[spmem:s2] =	stream.indirect.scatter.add.f32 [tilespmem:s19], [sflag:$0x3], $0x80, s6, s23, $0xb8;
	[tilespmem:$0x1E080] =	vst v63  }
0x58: {  	_ =	swait.ge [sflag:s20], $0x3E80  }
0x59: {  	[sflag:s20] =	ssyncset.done $0x0  }
0x5a: {  	s7 =	simm.s32 $0x13980;
	[sflag:s20] =	ssyncadd.s32 $0xFFFFC180  }
0x5b: {  	[tilespmem:s19], [sflag:$0x1] =	stream.indirect.gather [hbm4b:s4+s23], $0x80, s7, s23, $0xb8;
	[tilespmem:$0x1E080] =	vst v63  }
0x5c: {  	_ =	swait.ge [sflag:s26], $0x3E80  }
0x5d: {  	[sflag:s26] =	ssyncset.done $0x0  }
0x5e: {  	s8 =	simm.s32 $0x14D00;
	[sflag:s26] =	ssyncadd.s32 $0xFFFFC180  }
0x5f: {  	[spmem:s2] =	stream.indirect.scatter.add.f32 [tilespmem:s24], [sflag:$0x3], $0x80, s8, s23, $0xb8;
	[tilespmem:$0x1E080] =	vst v63  }
0x60: {  	_ =	swait.ge [sflag:s20], $0x3E80  }
0x61: {  	s0 =	simm.s32 $0x100;
	s3 =	simm.s32 $0x800;
	[sflag:s20] =	ssyncset.done $0x0  }
.LBB2_6:
0x62: {  	s6 =	sadd.s32 $0x13900, s0  }
0x63: {  	[sflag:s20] =	ssyncadd.s32 $0xFFFFC180;
	s7 =	smov.u32 s3;
	s8 =	sadd.s32 $0x400, s3  }
0x64: {  	[tilespmem:s24], [sflag:$0x2] =	stream.indirect.gather [hbm4b:s4+s23], $0x80, s6, s23, $0xb8;
	[tilespmem:$0x1E080] =	vst v63  }
0x65: {  	p1 =	sne.s32 s3, $0x4800;
	_ =	swait.ge [sflag:s25], $0x3E80  }
0x66: {  	[sflag:s25] =	ssyncset.done $0x0  }
0x67: {  	s3 =	sadd.s32 $0x14C80, s0;
	[sflag:s25] =	ssyncadd.s32 $0xFFFFC180  }
0x68: {  	[spmem:s2] =	stream.indirect.scatter.add.f32 [tilespmem:s19], [sflag:$0x3], $0x80, s3, s23, $0xb8;
	[tilespmem:$0x1E080] =	vst v63  }
0x69: {  	_ =	swait.ge [sflag:s20], $0x3E80  }
0x6a: {  	[sflag:s20] =	ssyncset.done $0x0  }
0x6b: {  	s3 =	sadd.s32 $0x13980, s0;
	[sflag:s20] =	ssyncadd.s32 $0xFFFFC180  }
0x6c: {  	[tilespmem:s19], [sflag:$0x1] =	stream.indirect.gather [hbm4b:s4+s23], $0x80, s3, s23, $0xb8;
	[tilespmem:$0x1E080] =	vst v63  }
0x6d: {  	_ =	swait.ge [sflag:s26], $0x3E80  }
.Ltmp2:
0x6e: {  	[sflag:s26] =	ssyncset.done $0x0;
	(pc) =	sbr.rel @p1 .LBB2_6-.Ltmp2, $4  }
0x6f: {  	s0 =	sadd.s32 $0x14D00, s0;
	[sflag:s26] =	ssyncadd.s32 $0xFFFFC180  }
0x70: {  	[spmem:s2] =	stream.indirect.scatter.add.f32 [tilespmem:s24], [sflag:$0x3], $0x80, s0, s23, $0xb8;
	[tilespmem:$0x1E080] =	vst v63  }
0x71: {  	_ =	swait.ge [sflag:s20], $0x3E80  }
0x72: {  	s3 =	smov.u32 s8;
	s0 =	sshra.s32 s7, $0x2;
	[sflag:s20] =	ssyncset.done $0x0  }
0x73: {  	s3 =	sadd.s32 $0x13900, s0;
	[sflag:s20] =	ssyncadd.s32 $0xFFFFC180  }
0x74: {  	[tilespmem:s24], [sflag:$0x2] =	stream.indirect.gather [hbm4b:s4+s23], $0x80, s3, s23, $0xb8;
	[tilespmem:$0x1E080] =	vst v63  }
0x75: {  	_ =	swait.ge [sflag:s25], $0x3E80  }
0x76: {  	[sflag:s25] =	ssyncset.done $0x0  }
0x77: {  	s8 =	sadd.s32 $0x14C80, s0;
	[sflag:s25] =	ssyncadd.s32 $0xFFFFC180  }
0x78: {  	[spmem:s2] =	stream.indirect.scatter.add.f32 [tilespmem:s19], [sflag:$0x3], $0x80, s8, s23, $0xb8;
	[tilespmem:$0x1E080] =	vst v63  }
0x79: {  	_ =	swait.ge [sflag:s20], $0x3E80  }
0x7a: {  	[sflag:s20] =	ssyncset.done $0x0  }
0x7b: {  	s6 =	sadd.s32 $0x13980, s0;
	[sflag:s20] =	ssyncadd.s32 $0xFFFFC180  }
0x7c: {  	[tilespmem:s19], [sflag:$0x1] =	stream.indirect.gather [hbm4b:s4+s23], $0x80, s6, s23, $0xb8;
	[tilespmem:$0x1E080] =	vst v63  }
0x7d: {  	_ =	swait.ge [sflag:s26], $0x3E80  }
0x7e: {  	[sflag:s26] =	ssyncset.done $0x0  }
0x7f: {  	s7 =	sadd.s32 $0x14D00, s0;
	[sflag:s26] =	ssyncadd.s32 $0xFFFFC180  }
0x80: {  	[spmem:s2] =	stream.indirect.scatter.add.f32 [tilespmem:s24], [sflag:$0x3], $0x80, s7, s23, $0xb8;
	[tilespmem:$0x1E080] =	vst v63  }
0x81: {  	_ =	swait.ge [sflag:s20], $0x3E80  }
0x82: {  	[sflag:s20] =	ssyncset.done $0x0  }
0x83: {  	[sflag:s20] =	ssyncadd.s32 $0xFFFFC180  }
0x84: {  	[tilespmem:s24], [sflag:$0x2] =	stream.indirect.gather [hbm4b:s4+s23], $0x80, s28, s23, $0xb8;
	[tilespmem:$0x1E080] =	vst v63  }
0x85: {  	_ =	swait.ge [sflag:s25], $0x3E80  }
0x86: {  	[sflag:s25] =	ssyncset.done $0x0  }
0x87: {  	[sflag:s25] =	ssyncadd.s32 $0xFFFFC180  }
0x88: {  	[spmem:s2] =	stream.indirect.scatter.add.f32 [tilespmem:s19], [sflag:$0x3], $0x80, s29, s23, $0xb8;
	[tilespmem:$0x1E080] =	vst v63  }
0x89: {  	_ =	swait.ge [sflag:s20], $0x3E80  }
0x8a: {  	[sflag:s20] =	ssyncset.done $0x0  }
0x8b: {  	[sflag:s20] =	ssyncadd.s32 $0xFFFFC180  }
0x8c: {  	_ =	swait.ge [sflag:s26], $0x3E80  }
0x8d: {  	[sflag:s26] =	ssyncset.done $0x0  }
0x8e: {  	[sflag:s26] =	ssyncadd.s32 $0xFFFFC180  }
0x8f: {  	[spmem:s2] =	stream.indirect.scatter.add.f32 [tilespmem:s24], [sflag:$0x3], $0x80, s30, s23, $0xb8;
	[tilespmem:$0x1E080] =	vst v63  }
0x90: {  	_ =	swait.ge [sflag:s20], $0x3E80  }
0x91: {  	[sflag:s20] =	ssyncset.done $0x0  }
0x92: {  	s8 =	simm.s32 $0x0;
	[sflag:s20] =	ssyncadd.s32 $0xFFFFC180  }
0x93: {  	[tilespmem:s21], [sflag:$0x3] =	stream.linear.gather [hbm4b:s17+s8], $0x1400, $0x38;
	[tilespmem:$0x1E080] =	vst v63  }
0x94: {  	_ =	swait.ge [sflag:s20], $0x1400  }
0x95: {  	[sflag:s20] =	ssyncset.done $0x0  }
0x96: {  	[sflag:s20] =	ssyncadd.s32 $0xFFFFEC00  }
0x97: {  	[tilespmem:s22], [sflag:$0x3] =	stream.linear.gather [hbm4b:s18+s8], $0x1400, $0x38;
	[tilespmem:$0x1E080] =	vst v63  }
0x98: {  	_ =	swait.ge [sflag:s20], $0x1400  }
0x99: {  	[sflag:s20] =	ssyncset.done $0x0  }
0x9a: {  	[sflag:s20] =	ssyncadd.s32 $0xFFFFEC00  }
0x9b: {  	[tilespmem:s19], [sflag:$0x1] =	stream.indirect.gather [hbm4b:s4+s23], $0x80, s21, s23, $0xb8;
	[tilespmem:$0x1E080] =	vst v63  }
0x9c: {  	s3 =	simm.s32 $0x13900  }
0x9d: {  	[tilespmem:s24], [sflag:$0x2] =	stream.indirect.gather [hbm4b:s4+s23], $0x80, s3, s23, $0xb8;
	[tilespmem:$0x1E080] =	vst v63  }
0x9e: {  	_ =	swait.ge [sflag:s25], $0x3E80  }
0x9f: {  	[sflag:s25] =	ssyncset.done $0x0  }
0xa0: {  	s6 =	simm.s32 $0x14C80;
	[sflag:s25] =	ssyncadd.s32 $0xFFFFC180  }
0xa1: {  	[spmem:s2] =	stream.indirect.scatter.add.f32 [tilespmem:s19], [sflag:$0x3], $0x80, s6, s23, $0xb8;
	[tilespmem:$0x1E080] =	vst v63  }
0xa2: {  	_ =	swait.ge [sflag:s20], $0x3E80  }
0xa3: {  	[sflag:s20] =	ssyncset.done $0x0  }
0xa4: {  	s7 =	simm.s32 $0x13980;
	[sflag:s20] =	ssyncadd.s32 $0xFFFFC180  }
0xa5: {  	[tilespmem:s19], [sflag:$0x1] =	stream.indirect.gather [hbm4b:s4+s23], $0x80, s7, s23, $0xb8;
	[tilespmem:$0x1E080] =	vst v63  }
0xa6: {  	_ =	swait.ge [sflag:s26], $0x3E80  }
0xa7: {  	[sflag:s26] =	ssyncset.done $0x0  }
0xa8: {  	s8 =	simm.s32 $0x14D00;
	[sflag:s26] =	ssyncadd.s32 $0xFFFFC180  }
0xa9: {  	[spmem:s2] =	stream.indirect.scatter.add.f32 [tilespmem:s24], [sflag:$0x3], $0x80, s8, s23, $0xb8;
	[tilespmem:$0x1E080] =	vst v63  }
0xaa: {  	_ =	swait.ge [sflag:s20], $0x3E80  }
0xab: {  	s0 =	simm.s32 $0x100;
	s3 =	simm.s32 $0x800;
	[sflag:s20] =	ssyncset.done $0x0  }
.LBB2_8:
0xac: {  	s6 =	sadd.s32 $0x13900, s0  }
0xad: {  	[sflag:s20] =	ssyncadd.s32 $0xFFFFC180;
	s7 =	smov.u32 s3;
	s8 =	sadd.s32 $0x400, s3  }
0xae: {  	[tilespmem:s24], [sflag:$0x2] =	stream.indirect.gather [hbm4b:s4+s23], $0x80, s6, s23, $0xb8;
	[tilespmem:$0x1E080] =	vst v63  }
0xaf: {  	p1 =	sne.s32 s3, $0x4800;
	_ =	swait.ge [sflag:s25], $0x3E80  }
0xb0: {  	[sflag:s25] =	ssyncset.done $0x0  }
0xb1: {  	s3 =	sadd.s32 $0x14C80, s0;
	[sflag:s25] =	ssyncadd.s32 $0xFFFFC180  }
0xb2: {  	[spmem:s2] =	stream.indirect.scatter.add.f32 [tilespmem:s19], [sflag:$0x3], $0x80, s3, s23, $0xb8;
	[tilespmem:$0x1E080] =	vst v63  }
0xb3: {  	_ =	swait.ge [sflag:s20], $0x3E80  }
0xb4: {  	[sflag:s20] =	ssyncset.done $0x0  }
0xb5: {  	s3 =	sadd.s32 $0x13980, s0;
	[sflag:s20] =	ssyncadd.s32 $0xFFFFC180  }
0xb6: {  	[tilespmem:s19], [sflag:$0x1] =	stream.indirect.gather [hbm4b:s4+s23], $0x80, s3, s23, $0xb8;
	[tilespmem:$0x1E080] =	vst v63  }
0xb7: {  	_ =	swait.ge [sflag:s26], $0x3E80  }
.Ltmp3:
0xb8: {  	[sflag:s26] =	ssyncset.done $0x0;
	(pc) =	sbr.rel @p1 .LBB2_8-.Ltmp3, $4  }
0xb9: {  	s0 =	sadd.s32 $0x14D00, s0;
	[sflag:s26] =	ssyncadd.s32 $0xFFFFC180  }
0xba: {  	[spmem:s2] =	stream.indirect.scatter.add.f32 [tilespmem:s24], [sflag:$0x3], $0x80, s0, s23, $0xb8;
	[tilespmem:$0x1E080] =	vst v63  }
0xbb: {  	_ =	swait.ge [sflag:s20], $0x3E80  }
0xbc: {  	s3 =	smov.u32 s8;
	s0 =	sshra.s32 s7, $0x2;
	[sflag:s20] =	ssyncset.done $0x0  }
0xbd: {  	s3 =	sadd.s32 $0x13900, s0;
	[sflag:s20] =	ssyncadd.s32 $0xFFFFC180  }
0xbe: {  	[tilespmem:s24], [sflag:$0x2] =	stream.indirect.gather [hbm4b:s4+s23], $0x80, s3, s23, $0xb8;
	[tilespmem:$0x1E080] =	vst v63  }
0xbf: {  	_ =	swait.ge [sflag:s25], $0x3E80  }
0xc0: {  	[sflag:s25] =	ssyncset.done $0x0  }
0xc1: {  	s6 =	sadd.s32 $0x14C80, s0;
	[sflag:s25] =	ssyncadd.s32 $0xFFFFC180  }
0xc2: {  	[spmem:s2] =	stream.indirect.scatter.add.f32 [tilespmem:s19], [sflag:$0x3], $0x80, s6, s23, $0xb8;
	[tilespmem:$0x1E080] =	vst v63  }
0xc3: {  	_ =	swait.ge [sflag:s20], $0x3E80  }
0xc4: {  	[sflag:s20] =	ssyncset.done $0x0  }
0xc5: {  	s7 =	sadd.s32 $0x13980, s0;
	[sflag:s20] =	ssyncadd.s32 $0xFFFFC180  }
0xc6: {  	[tilespmem:s19], [sflag:$0x1] =	stream.indirect.gather [hbm4b:s4+s23], $0x80, s7, s23, $0xb8;
	[tilespmem:$0x1E080] =	vst v63  }
0xc7: {  	_ =	swait.ge [sflag:s26], $0x3E80  }
0xc8: {  	[sflag:s26] =	ssyncset.done $0x0  }
0xc9: {  	s8 =	sadd.s32 $0x14D00, s0;
	[sflag:s26] =	ssyncadd.s32 $0xFFFFC180  }
0xca: {  	[spmem:s2] =	stream.indirect.scatter.add.f32 [tilespmem:s24], [sflag:$0x3], $0x80, s8, s23, $0xb8;
	[tilespmem:$0x1E080] =	vst v63  }
0xcb: {  	_ =	swait.ge [sflag:s20], $0x3E80  }
0xcc: {  	[sflag:s20] =	ssyncset.done $0x0  }
0xcd: {  	[sflag:s20] =	ssyncadd.s32 $0xFFFFC180  }
0xce: {  	[tilespmem:s24], [sflag:$0x2] =	stream.indirect.gather [hbm4b:s4+s23], $0x80, s28, s23, $0xb8;
	[tilespmem:$0x1E080] =	vst v63  }
0xcf: {  	_ =	swait.ge [sflag:s25], $0x3E80  }
0xd0: {  	[sflag:s25] =	ssyncset.done $0x0  }
0xd1: {  	[sflag:s25] =	ssyncadd.s32 $0xFFFFC180  }
0xd2: {  	[spmem:s2] =	stream.indirect.scatter.add.f32 [tilespmem:s19], [sflag:$0x3], $0x80, s29, s23, $0xb8;
	[tilespmem:$0x1E080] =	vst v63  }
0xd3: {  	_ =	swait.ge [sflag:s20], $0x3E80  }
0xd4: {  	[sflag:s20] =	ssyncset.done $0x0  }
0xd5: {  	[sflag:s20] =	ssyncadd.s32 $0xFFFFC180  }
0xd6: {  	_ =	swait.ge [sflag:s26], $0x3E80  }
0xd7: {  	[sflag:s26] =	ssyncset.done $0x0  }
0xd8: {  	[sflag:s26] =	ssyncadd.s32 $0xFFFFC180  }
0xd9: {  	[spmem:s2] =	stream.indirect.scatter.add.f32 [tilespmem:s24], [sflag:$0x3], $0x80, s30, s23, $0xb8;
	[tilespmem:$0x1E080] =	vst v63  }
0xda: {  	_ =	swait.ge [sflag:s20], $0x3E80  }
0xdb: {  	s0 =	sshll.u32 @!p0 s1, $0x6;
	[sflag:s20] =	ssyncset.done $0x0  }
0xdc: {  	s31 =	sadd.s32 $0x1, s31;
	s0 =	sor.u32 @!p0 $0x1C03, s0;
	[sflag:s20] =	ssyncadd.s32 $0xFFFFC180  }
0xdd: {  	s3 =	sshrl.u32 @!p0 s5, $0x3;
	p1 =	sne.s32 s31, s14;
	[bflag:$0x0] =	sbarrier.arrive $0xFFFF  }
0xde: {  	[hbm:s13], [sflag:s0] =	dma.local @!p0 [spmem:s3], $0x3E80  }
.Ltmp4:
0xdf: {  	_ = 	snop;
	(pc) =	sbr.rel @p1 .LBB2_1-.Ltmp4, $4  }
0xe0: {  	s0 =	simm.s32 @!p0 $0x3  }
0xe1: {  	_ =	swait.ge @!p0 [sflag:s0], $0x3E80  }
0xe2: {  	[sflag:s0] =	ssyncset.done @!p0 $0x0  }
0xe3: {  	[sflag:s0] =	ssyncadd.s32 @!p0 $0xFFFFC180  }
0xe4: {  	_ =	sfence.sel $0x180000  }
0xe5: {  	[bflag:$0x0] =	sbarrier.arrive $0xFFFF  }
0xe6: {  	_ =	strace $0x9000004A  }
0xe7: {  	[bflag:$0x2] =	sbarrier.arrive $0xFFFF  }
0xe8: {  	p0 =	sne.s32 s1, $0x0;
	s0 =	rddreg [dreg:$0x2]  }
0xe9: {  	s0 =	sadd.s32 @!p0 $0x100000, s0  }
0xea: {  	[sflag:s0] =	ssyncadd.tile.s32 @!p0 $0x1;
	_ =	shalt  }
.Lfunc_end2:
_tile_overlayer_lowered:
.L_overlay_start_2:
0xeb: {  	(tag) =	ssettag $0x2  }
0xec: {  	s0 =	rddreg [dreg:$0x0];
	s2 =	stileid.u32  }
0xed: {  	s1 =	rddreg [dreg:$0x1];
	p0 =	sne.s32 s2, $0x0  }
0xee: {  	s3 =	rddreg [dreg:$0x2];
	[bflag:$0x3] =	sbarrier.arrive $0xFFFF;
	s2 =	simm.s32 @!p0 $0x1C03  }
0xef: {  	[timem:s3], [sflag:s2] =	dma.local @!p0 [hbm:s0], s1  }
0xf0: {  	s0 =	simm.s32 @!p0 $0x3  }
0xf1: {  	_ =	swait.ge @!p0 [sflag:s0], s1  }
0xf2: {  	s1 =	ssub.s32 @!p0 $0x0, s1;
	[sflag:s0] =	ssyncset.done @!p0 $0x0  }
0xf3: {  	[sflag:s0] =	ssyncadd.s32 @!p0 s1  }
0xf4: {  	[bflag:$0x3] =	sbarrier.arrive $0xFFFF  }
0xf5: {  	_ =	shalt  }

// kernel: gcn_scatter_agg.7.cloned.1.call-start
scs
__scs_entry_jumppad:
0x0: {  	(pc) =	sbr.rel $0x88, $3  }
0x1: {  	(tag) =	ssettag $0x0;
	lr =	simm.s32 $0x1  }
0x2: {  	[smem:$0x3F93] =	sst lr;
	_ =	strace $0xD0000000  }
0x3: {  	_ = 	snop  }
0x4: {  	_ = 	snop  }
0x5: {  	_ = 	snop  }
0x6: {  	_ = 	snop  }
0x7: {  	_ = 	snop  }
__scs_overlays_trampoline_lowered:
0x8: {  	[smem:$0x3FA2] =	sst s0  }
0x9: {  	[smem:$0x3FA3] =	sst s1  }
0xa: {  	[smem:$0x3FA4] =	sst s2  }
0xb: {  	[smem:$0x3FA5] =	sst s3  }
0xc: {  	[smem:$0x3FA6] =	sst s4  }
0xd: {  	[smem:$0x3FA7] =	sst s5  }
0xe: {  	[smem:$0x3FA8] =	sst s6  }
0xf: {  	[smem:$0x3FA9] =	sst s7  }
0x10: {  	[smem:$0x3FAA] =	sst s8  }
0x11: {  	[smem:$0x3FAB] =	sst s9;
	s0 =	simm.s32 @!p0 $0x0  }
0x12: {  	s1 =	sld [smem:$0x3F91];
	s0 =	simm.s32 @p0 $0x1  }
0x13: {  	[smem:$0x3FAC] =	sst s0;
	s0 =	simm.s32 @!p1 $0x0  }
0x14: {  	s2 =	sld [smem:$0x3F90];
	s0 =	simm.s32 @p1 $0x1  }
0x15: {  	[smem:$0x3FAD] =	sst s0;
	s0 =	simm.s32 @!p2 $0x0  }
0x16: {  	s3 =	sld [smem:$0x3FDB];
	s0 =	simm.s32 @p2 $0x1  }
0x17: {  	s4 =	simm.s32 $0x1BF5;
	[smem:$0x3FAF] =	sst s0  }
0x18: {  	s0 =	sld [smem:$0x3F92];
	_ =	swait.ge [sflag:s4], $0x0  }
0x19: {  	s7 =	sld [smem:$0x3F93]  }
0x1a: {  	s8 =	sadd.s32 $0xFFFFE003, lr  }
0x1b: {  	s9 =	sadd.s32 $0xFFFFFEF7, lr;
	s5 =	simm.s32 $0xFFFFFFFF;
	p2 =	slt.u32 s8, $0xFFFFF086  }
0x1c: {  	p1 =	slt.u32 s9, $0xF7A;
	s5 =	simm.s32 @!p2 $0x0  }
0x1d: {  	s5 =	simm.s32 @p1 $0x1;
	p0 =	seq.s32 s7, s2  }
0x1e: {  	s7 =	smul.u32 @!p0 $0xF7A, s2;
	p2 =	seq.s32 @!p0 s5, $0x0  }
0x1f: {  	s9 =	smul.u32 $0xF7A, s1;
	s8 =	simm.s32 @!p0 $0x1BF5;
	p2 =	por !p2, p0  }
0x20: {  	[sflag:s8] =	ssyncset.s32 @!p0 $0xFFFFF086;
	s6 =	sadd.s32 @!p0 s3, s7;
	s7 =	simm.s32 @!p0 $0x108  }
0x21: {  	s3 =	sadd.s32 s3, s9;
	s6 =	sadd.s32 @!p0 $0x88, s6;
	s7 =	simm.s32 @p2 $0x1082  }
0x22: {  	[simem:s7], [sflag:s8] =	dma.local @!p0 [hbm:s6], $0xF7A  }
0x23: {  	s9 =	sor.u32 $0xD0000000, s2;
	s6 =	simm.s32 $0x108;
	_ =	swait.ge @!p0 [sflag:s8], $0x0  }
0x24: {  	s3 =	sadd.s32 $0x88, s3;
	s6 =	simm.s32 @!p1 $0x1082;
	[sflag:s4] =	ssyncset.s32 $0xFFFFF086  }
0x25: {  	[simem:s6], [sflag:s4] =	dma.local [hbm:s3], $0xF7A  }
0x26: {  	[smem:$0x3F93] =	sst s1;
	(tag) =	ssettag s2;
	_ =	strace s9  }
0x27: {  	s1 =	sld [smem:$0x3FA3]  }
0x28: {  	s2 =	sld [smem:$0x3FA4]  }
0x29: {  	s4 =	sld [smem:$0x3FA6]  }
0x2a: {  	p0 =	seq.s32 s5, $0x0;
	s5 =	sld [smem:$0x3FA7]  }
0x2b: {  	s6 =	sld [smem:$0x3FA8]  }
0x2c: {  	s7 =	sld [smem:$0x3FA9]  }
0x2d: {  	s3 =	simm.s32 $0x108;
	s8 =	sld [smem:$0x3FAA]  }
0x2e: {  	s3 =	simm.s32 @!p0 $0x1082;
	s9 =	sld [smem:$0x3FAB]  }
0x2f: {  	lr =	sadd.s32 s0, s3;
	s0 =	sld [smem:$0x3FA2]  }
0x30: {  	s3 =	sld [smem:$0x3FA5]  }
0x31: {  	[smem:$0x3FAE] =	sst s10  }
0x32: {  	s10 =	sld [smem:$0x3FAC];
	_ =	sdelay $0x3  }
0x33: {  	p0 =	seq.s32 s10, $0x1;
	s10 =	sld [smem:$0x3FAE];
	_ =	sdelay $0x3  }
0x34: {  	[smem:$0x3FAE] =	sst s10  }
0x35: {  	s10 =	sld [smem:$0x3FAD];
	_ =	sdelay $0x3  }
0x36: {  	p1 =	seq.s32 s10, $0x1;
	s10 =	sld [smem:$0x3FAE];
	_ =	sdelay $0x3  }
0x37: {  	[smem:$0x3FAE] =	sst s10  }
0x38: {  	s10 =	sld [smem:$0x3FAF]  }
0x39: {  	_ = 	snop;
	(pc) =	sbr.ind lr, $3  }
0x3a: {  	_ = 	snop  }
0x3b: {  	_ = 	snop  }
0x3c: {  	p2 =	seq.s32 s10, $0x1;
	s10 =	sld [smem:$0x3FAE]  }
0x3d: {  	_ =	shalt  }
0x3e: {  	_ =	shalt  }
0x3f: {  	_ =	shalt  }
0x40: {  	_ =	shalt  }
0x41: {  	_ =	shalt  }
0x42: {  	_ =	shalt  }
0x43: {  	_ =	shalt  }
0x44: {  	_ =	shalt  }
0x45: {  	_ =	shalt  }
0x46: {  	_ =	shalt  }
0x47: {  	_ =	shalt  }
0x48: {  	_ =	shalt  }
0x49: {  	_ =	shalt  }
0x4a: {  	_ =	shalt  }
0x4b: {  	_ =	shalt  }
0x4c: {  	_ =	shalt  }
0x4d: {  	_ =	shalt  }
0x4e: {  	_ =	shalt  }
0x4f: {  	_ =	shalt  }
0x50: {  	_ =	shalt  }
0x51: {  	_ =	shalt  }
0x52: {  	_ =	shalt  }
0x53: {  	_ =	shalt  }
0x54: {  	_ =	shalt  }
0x55: {  	_ =	shalt  }
0x56: {  	_ =	shalt  }
0x57: {  	_ =	shalt  }
0x58: {  	_ =	shalt  }
0x59: {  	_ =	shalt  }
0x5a: {  	_ =	shalt  }
0x5b: {  	_ =	shalt  }
0x5c: {  	_ =	shalt  }
0x5d: {  	_ =	shalt  }
0x5e: {  	_ =	shalt  }
0x5f: {  	_ =	shalt  }
0x60: {  	_ =	shalt  }
0x61: {  	_ =	shalt  }
0x62: {  	_ =	shalt  }
0x63: {  	_ =	shalt  }
0x64: {  	_ =	shalt  }
0x65: {  	_ =	shalt  }
0x66: {  	_ =	shalt  }
0x67: {  	_ =	shalt  }
0x68: {  	_ =	shalt  }
0x69: {  	_ =	shalt  }
0x6a: {  	_ =	shalt  }
0x6b: {  	_ =	shalt  }
0x6c: {  	_ =	shalt  }
0x6d: {  	_ =	shalt  }
0x6e: {  	_ =	shalt  }
0x6f: {  	_ =	shalt  }
0x70: {  	_ =	shalt  }
0x71: {  	_ =	shalt  }
0x72: {  	_ =	shalt  }
0x73: {  	_ =	shalt  }
0x74: {  	_ =	shalt  }
0x75: {  	_ =	shalt  }
0x76: {  	_ =	shalt  }
0x77: {  	_ =	shalt  }
0x78: {  	_ =	shalt  }
0x79: {  	_ =	shalt  }
0x7a: {  	_ =	shalt  }
0x7b: {  	_ =	shalt  }
0x7c: {  	_ =	shalt  }
0x7d: {  	_ =	shalt  }
0x7e: {  	_ =	shalt  }
0x7f: {  	_ =	shalt  }
0x80: {  	_ =	shalt  }
0x81: {  	_ =	shalt  }
0x82: {  	_ =	shalt  }
0x83: {  	_ =	shalt  }
0x84: {  	_ =	shalt  }
0x85: {  	_ =	shalt  }
0x86: {  	_ =	shalt  }
0x87: {  	_ =	shalt  }
.Lfunc_end0:
.L_simem_size_0:
called_computation.2_lowered:
.L_overlay_start_0:
0x88: {  	s2 =	sld [smem:$0x3FD9]  }
0x89: {  	s3 =	sld [smem:$0x3FFE];
	_ =	sdelay $0x1  }
0x8a: {  	s1 =	srdreg.scid  }
0x8b: {  	s0 =	sand.u32 $0x1, s1  }
0x8c: {  	s16 =	sshll.u32 s0, $0xA;
	s2 =	sadd.s32 s3, s2  }
0x8d: {  	s2 =	sadd.s32 s2, s16  }
0x8e: {  	[smem:$0x3FBA] =	sst s2  }
0x8f: {  	_ = 	snop  }
0x90: {  	(tm) =	ssettm $0x1  }
0x91: {  	s17 =	sld [smem:$0x3FFB];
	_ =	sdelay $0x3  }
0x92: {  	_ =	strace s17  }
0x93: {  	s2 =	sld [smem:$0x3FFC];
	_ =	sdelay $0x3  }
0x94: {  	_ =	strace s2  }
0x95: {  	s2 =	sld [smem:$0x3FFD];
	_ =	sdelay $0x3  }
0x96: {  	_ =	strace s2  }
0x97: {  	_ =	strace $0x8FFFFFFF  }
0x98: {  	s18 =	sld [smem:$0x3FDB];
	_ =	sdelay $0x1  }
0x99: {  	s19 =	simm.s32 $_scs_section_size  }
0x9a: {  	s4 =	simm.s32 $_size__tile_overlayer_lowered;
	s5 =	simm.s32 $_tile_overlayer_lowered  }
0x9b: {  	s22 =	simm.s32 $0x1BFF;
	s21 =	sshll.u32 s5, $0x1;
	s2 =	sadd.s32 s19, s18  }
0x9c: {  	s6 =	simm.s32 $0x0;
	s20 =	sshll.u32 s4, $0x1;
	s4 =	sadd.s32 s21, s2  }
0x9d: {  	[timem:s6], [sflag:s22] =	dma.local [hbm:s4], s20  }
0x9e: {  	_ =	swait.ge [sflag:s22], s20  }
0x9f: {  	s3 =	ssub.s32 $0x0, s20;
	[sflag:s22] =	ssyncset.done $0x0  }
0xa0: {  	[sflag:s22] =	ssyncadd.s32 s3;
	_ =	sdelay $0x1  }
0xa1: {  	s23 =	simm.s32 $0x1B8B  }
0xa2: {  	_ =	swait.ge [sflag:s23], $0x1  }
0xa3: {  	[sflag:s23] =	ssyncset.done $0x0  }
0xa4: {  	s25 =	simm.s32 $0x1B8E;
	s24 =	sld [smem:$0x3FFE];
	[sflag:s23] =	ssyncadd.s32 $0xFFFFFFFF  }
0xa5: {  	s26 =	simm.s32 $execute0_lowered;
	[smem:$0x3FD2] =	sst s25  }
0xa6: {  	s4 =	sshll.u32 s26, $0x1;
	_ =	strace $0x8000004C;
	[dreg:$0x1] =	wrdreg $0xFFFFFFFF  }
0xa7: {  	s28 =	simm.s32 $_size_execute0_lowered;
	s2 =	sadd.s32 s2, s4;
	[dreg:$0x0] =	wrdreg $0x0  }
0xa8: {  	s4 =	sshll.u32 s28, $0x1;
	[dreg:$0x2] =	wrdreg s2  }
0xa9: {  	[dreg:$0x3] =	wrdreg s4  }
0xaa: {  	[dreg:$0x4] =	wrdreg $0xC0  }
0xab: {  	_ =	task [dreg:s6], $0x5FFFF  }
0xac: {  	[dreg:$0x1] =	wrdreg $0xFFFFFFFF  }
0xad: {  	[dreg:$0x0] =	wrdreg $0x60  }
0xae: {  	[dreg:$0x2] =	wrdreg s24  }
0xaf: {  	[dreg:$0x3] =	wrdreg $0x0  }
0xb0: {  	[dreg:$0x4] =	wrdreg $0x9  }
0xb1: {  	_ =	task.clear_ibuf [dreg:s6], $0x5FFFF;
	_ =	strace $0x9000004C  }
0xb2: {  	s29 =	simm.s32 $0x9;
	_ =	strace $0x8000004E  }
0xb3: {  	_ =	swait.ge [sflag:s29], $0x1  }
0xb4: {  	[sflag:s29] =	ssyncadd.s32 $0xFFFFFFFF  }
0xb5: {  	_ =	strace $0x9000004E  }
0xb6: {  	_ =	sfence  }
0xb7: {  	s30 =	sld [smem:$0x0];
	_ =	sdelay $0x2  }
0xb8: {  	s31 =	sshll.u32 s1, $0xD;
	s1 =	sshrl.u32 s1, $0x2  }
0xb9: {  	s3 =	sand.u32 $0x4000, s31;
	s1 =	sadd.s32 s1, s30  }
0xba: {  	s0 =	sor.u32 s3, s0;
	s1 =	sshll.u32 s1, $0x11  }
0xbb: {  	s0 =	sor.u32 s1, s0  }
0xbc: {  	s0 =	sadd.s32 $0x8F2B, s0  }
0xbd: {  	[sflag:s0] =	ssyncadd.remote.s32 $0x1  }
0xbe: {  	_ =	sfence.sel $0xFFFF  }
0xbf: {  	[dreg:$0x0] =	wrdreg $0xFFFFFFFF;
	(pc) =	sbr.abs _section_cstart, $3  }
0xc0: {  	[dreg:$0x1] =	wrdreg $0xFFFFFFFF  }
0xc1: {  	_ =	task.clear_ibuf [dreg:s6], $0x2FFFF;
	_ =	strace $0x9FFFFFFF  }
0xc2: {  	(tm) =	ssettm $0x7FFFFFFF  }
0xc3: {  	_ =	shalt  }
tec
execute0_lowered:
.L_overlay_start_1:
0x0: {  	(tag) =	ssettag $0x1  }
0x1: {  	s0 =	rddreg [dreg:$0x0]  }
0x2: {  	s2 =	rddreg [dreg:$0x1];
	s4 =	simm.s32 $0x0;
	s3 =	srdreg.scid  }
0x3: {  	s1 =	stileid.u32;
	s19 =	simm.s32 $0x16080;
	s20 =	simm.s32 $0x3  }
0x4: {  	s28 =	simm.s32 $0x14C00;
	s29 =	simm.s32 $0x15F80;
	s30 =	simm.s32 $0x16000  }
0x5: {  	s31 =	simm.s32 $0x0;
	[smem:$0x7FF] =	sst s4;
	s5 =	smul.u32 $0x3E80, s1  }
0x6: {  	s3 =	sand.u32 $0x1, s3;
	s4 =	sadd.s32 $0x21600, s0;
	s7 =	smul.u32 $0x7D000, s1  }
0x7: {  	s17 =	sadd.s32 $0x17600, s0;
	s18 =	sadd.s32 $0xD600, s0;
	s13 =	smul.u32 $0x50, s1  }
0x8: {  	p0 =	sgt.u32 s1, $0x9;
	s6 =	smul.u32 $0x27100, s3;
	s21 =	ssub.s32 $0x2, s3  }
0x9: {  	_ =	strace $0x8000004D;
	s3 =	smul.u32 $0x500, s3;
	s22 =	sshrl.u32 s21, $0x1  }
0xa: {  	s7 =	sshrl.u32 s7, $0x2;
	s5 =	sadd.s32 s5, s6;
	s14 =	ssub.s32 s21, s22  }
0xb: {  	s3 =	sadd.s32 s13, s3;
	s21 =	simm.s32 $0x13880;
	s22 =	simm.s32 $0x14C80  }
0xc: {  	s0 =	sadd.s32 s5, s0;
	s5 =	sadd.s32 s7, s2;
	s14 =	smax.u32 s14, $0x1  }
0xd: {  	s26 =	sshll.u32 s3, $0x4;
	s23 =	sadd.s32 $0x3E80, s5;
	s24 =	sadd.s32 $0x7D00, s5  }
0xe: {  	s25 =	sadd.s32 $0xBB80, s5;
	s9 =	sadd.s32 $0xFA00, s5;
	s10 =	sadd.s32 $0x13880, s5  }
0xf: {  	s11 =	sadd.s32 $0x17700, s5;
	s12 =	sadd.s32 $0x1B580, s5;
	s13 =	sadd.s32 $0x48800, s0  }
0x10: {  	s15 =	sadd.s32 s17, s26;
	s16 =	sadd.s32 s18, s26;
	[dreg:$0x3] =	wrdreg s23  }
0x11: {  	s0 =	sadd.s32 $0x280, s26;
	s26 =	simm.s32 $0x2;
	[dreg:$0x4] =	wrdreg s24  }
0x12: {  	[dreg:$0x5] =	wrdreg s25;
	s17 =	sadd.s32 s17, s0;
	s18 =	sadd.s32 s18, s0  }
0x13: {  	v0 =	vimm.f32 $0.0e+00;
	s23 =	simm.s32 $0x7D;
	s24 =	simm.s32 $0x1A080;
	s25 =	simm.s32 $0x1  }
.LBB2_1:
.Ltmp0:
0x14: {  	(pc) =	sbr.rel @p0 .LBB2_5-.Ltmp0, $1  }
0x15: {  	_ =	sdelay $0x3  }
0x16: {  	s3 =	simm.s32 $0x0  }
0x17: {  	s0 =	sshra.s32 s3, $0x2;
	s3 =	sadd.s32 $0x200, s3  }
.LBB2_3:
0x18: {  	p1 =	sne.s32 s3, $0xF800;
	[tilespmem:s0+$0x160F0] =	vst v0  }
0x19: {  	[tilespmem:s0+$0x16080] =	vst v0  }
0x1a: {  	[tilespmem:s0+$0x16090] =	vst v0  }
.Ltmp1:
0x1b: {  	[tilespmem:s0+$0x160A0] =	vst v0;
	(pc) =	sbr.rel @p1 .LBB2_3-.Ltmp1, $4  }
0x1c: {  	[tilespmem:s0+$0x160B0] =	vst v0  }
0x1d: {  	[tilespmem:s0+$0x160C0] =	vst v0  }
0x1e: {  	[tilespmem:s0+$0x160D0] =	vst v0  }
0x1f: {  	[tilespmem:s0+$0x160E0] =	vst v0;
	s0 =	sshra.s32 s3, $0x2;
	s3 =	sadd.s32 $0x200, s3  }
0x20: {  	[tilespmem:s0+$0x160F0] =	vst v0  }
0x21: {  	[tilespmem:s0+$0x16080] =	vst v0  }
0x22: {  	[tilespmem:s0+$0x16090] =	vst v0  }
0x23: {  	[tilespmem:s0+$0x160A0] =	vst v0  }
0x24: {  	[tilespmem:s0+$0x160B0] =	vst v0  }
0x25: {  	[tilespmem:s0+$0x160C0] =	vst v0  }
0x26: {  	[tilespmem:s0+$0x160D0] =	vst v0  }
0x27: {  	[tilespmem:s0+$0x160E0] =	vst v0  }
0x28: {  	[spmem:s5] =	stream.linear.scatter [tilespmem:s19], [sflag:$0x3], $0x3E80, $0x38;
	[tilespmem:$0x1E080] =	vst v63  }
0x29: {  	_ =	swait.ge [sflag:s20], $0x3E80  }
0x2a: {  	[sflag:s20] =	ssyncset.done $0x0  }
0x2b: {  	s6 =	rddreg [dreg:$0x3];
	[sflag:s20] =	ssyncadd.s32 $0xFFFFC180  }
0x2c: {  	[spmem:s6] =	stream.linear.scatter [tilespmem:s19], [sflag:$0x3], $0x3E80, $0x38;
	[tilespmem:$0x1E080] =	vst v63  }
0x2d: {  	_ =	swait.ge [sflag:s20], $0x3E80  }
0x2e: {  	[sflag:s20] =	ssyncset.done $0x0  }
0x2f: {  	s7 =	rddreg [dreg:$0x4];
	[sflag:s20] =	ssyncadd.s32 $0xFFFFC180  }
0x30: {  	[spmem:s7] =	stream.linear.scatter [tilespmem:s19], [sflag:$0x3], $0x3E80, $0x38;
	[tilespmem:$0x1E080] =	vst v63  }
0x31: {  	_ =	swait.ge [sflag:s20], $0x3E80  }
0x32: {  	[sflag:s20] =	ssyncset.done $0x0  }
0x33: {  	s8 =	rddreg [dreg:$0x5];
	[sflag:s20] =	ssyncadd.s32 $0xFFFFC180  }
0x34: {  	[spmem:s8] =	stream.linear.scatter [tilespmem:s19], [sflag:$0x3], $0x3E80, $0x38;
	[tilespmem:$0x1E080] =	vst v63  }
0x35: {  	_ =	swait.ge [sflag:s20], $0x3E80  }
0x36: {  	[sflag:s20] =	ssyncset.done $0x0  }
0x37: {  	[sflag:s20] =	ssyncadd.s32 $0xFFFFC180  }
0x38: {  	[spmem:s9] =	stream.linear.scatter [tilespmem:s19], [sflag:$0x3], $0x3E80, $0x38;
	[tilespmem:$0x1E080] =	vst v63  }
0x39: {  	_ =	swait.ge [sflag:s20], $0x3E80  }
0x3a: {  	[sflag:s20] =	ssyncset.done $0x0  }
0x3b: {  	[sflag:s20] =	ssyncadd.s32 $0xFFFFC180  }
0x3c: {  	[spmem:s10] =	stream.linear.scatter [tilespmem:s19], [sflag:$0x3], $0x3E80, $0x38;
	[tilespmem:$0x1E080] =	vst v63  }
0x3d: {  	_ =	swait.ge [sflag:s20], $0x3E80  }
0x3e: {  	[sflag:s20] =	ssyncset.done $0x0  }
0x3f: {  	[sflag:s20] =	ssyncadd.s32 $0xFFFFC180  }
0x40: {  	[spmem:s11] =	stream.linear.scatter [tilespmem:s19], [sflag:$0x3], $0x3E80, $0x38;
	[tilespmem:$0x1E080] =	vst v63  }
0x41: {  	_ =	swait.ge [sflag:s20], $0x3E80  }
0x42: {  	[sflag:s20] =	ssyncset.done $0x0  }
0x43: {  	[sflag:s20] =	ssyncadd.s32 $0xFFFFC180  }
0x44: {  	[spmem:s12] =	stream.linear.scatter [tilespmem:s19], [sflag:$0x3], $0x3E80, $0x38;
	[tilespmem:$0x1E080] =	vst v63  }
0x45: {  	_ =	swait.ge [sflag:s20], $0x3E80  }
0x46: {  	[sflag:s20] =	ssyncset.done $0x0  }
0x47: {  	[sflag:s20] =	ssyncadd.s32 $0xFFFFC180  }
.LBB2_5:
0x48: {  	[bflag:$0x0] =	sbarrier.arrive $0xFFFF;
	s0 =	simm.s32 $0x0  }
0x49: {  	[tilespmem:s21], [sflag:$0x3] =	stream.linear.gather [hbm4b:s15+s0], $0x1400, $0x38;
	[tilespmem:$0x1E080] =	vst v63  }
0x4a: {  	_ =	swait.ge [sflag:s20], $0x1400  }
0x4b: {  	[sflag:s20] =	ssyncset.done $0x0  }
0x4c: {  	[sflag:s20] =	ssyncadd.s32 $0xFFFFEC00  }
0x4d: {  	[tilespmem:s22], [sflag:$0x3] =	stream.linear.gather [hbm4b:s16+s0], $0x1400, $0x38;
	[tilespmem:$0x1E080] =	vst v63  }
0x4e: {  	_ =	swait.ge [sflag:s20], $0x1400  }
0x4f: {  	[sflag:s20] =	ssyncset.done $0x0  }
0x50: {  	[sflag:s20] =	ssyncadd.s32 $0xFFFFEC00  }
0x51: {  	[tilespmem:s19], [sflag:$0x1] =	stream.indirect.gather [hbm4b:s4+s23], $0x80, s21, s23, $0xb8;
	[tilespmem:$0x1E080] =	vst v63  }
0x52: {  	s3 =	simm.s32 $0x13900  }
0x53: {  	[tilespmem:s24], [sflag:$0x2] =	stream.indirect.gather [hbm4b:s4+s23], $0x80, s3, s23, $0xb8;
	[tilespmem:$0x1E080] =	vst v63  }
0x54: {  	_ =	swait.ge [sflag:s25], $0x3E80  }
0x55: {  	[sflag:s25] =	ssyncset.done $0x0  }
0x56: {  	s6 =	simm.s32 $0x14C80;
	[sflag:s25] =	ssyncadd.s32 $0xFFFFC180  }
0x57: {  	[spmem:s2] =	stream.indirect.scatter.add.f32 [tilespmem:s19], [sflag:$0x3], $0x80, s6, s23, $0xb8;
	[tilespmem:$0x1E080] =	vst v63  }
0x58: {  	_ =	swait.ge [sflag:s20], $0x3E80  }
0x59: {  	[sflag:s20] =	ssyncset.done $0x0  }
0x5a: {  	s7 =	simm.s32 $0x13980;
	[sflag:s20] =	ssyncadd.s32 $0xFFFFC180  }
0x5b: {  	[tilespmem:s19], [sflag:$0x1] =	stream.indirect.gather [hbm4b:s4+s23], $0x80, s7, s23, $0xb8;
	[tilespmem:$0x1E080] =	vst v63  }
0x5c: {  	_ =	swait.ge [sflag:s26], $0x3E80  }
0x5d: {  	[sflag:s26] =	ssyncset.done $0x0  }
0x5e: {  	s8 =	simm.s32 $0x14D00;
	[sflag:s26] =	ssyncadd.s32 $0xFFFFC180  }
0x5f: {  	[spmem:s2] =	stream.indirect.scatter.add.f32 [tilespmem:s24], [sflag:$0x3], $0x80, s8, s23, $0xb8;
	[tilespmem:$0x1E080] =	vst v63  }
0x60: {  	_ =	swait.ge [sflag:s20], $0x3E80  }
0x61: {  	s0 =	simm.s32 $0x100;
	s3 =	simm.s32 $0x800;
	[sflag:s20] =	ssyncset.done $0x0  }
.LBB2_6:
0x62: {  	s6 =	sadd.s32 $0x13900, s0  }
0x63: {  	[sflag:s20] =	ssyncadd.s32 $0xFFFFC180;
	s7 =	smov.u32 s3;
	s8 =	sadd.s32 $0x400, s3  }
0x64: {  	[tilespmem:s24], [sflag:$0x2] =	stream.indirect.gather [hbm4b:s4+s23], $0x80, s6, s23, $0xb8;
	[tilespmem:$0x1E080] =	vst v63  }
0x65: {  	p1 =	sne.s32 s3, $0x4800;
	_ =	swait.ge [sflag:s25], $0x3E80  }
0x66: {  	[sflag:s25] =	ssyncset.done $0x0  }
0x67: {  	s3 =	sadd.s32 $0x14C80, s0;
	[sflag:s25] =	ssyncadd.s32 $0xFFFFC180  }
0x68: {  	[spmem:s2] =	stream.indirect.scatter.add.f32 [tilespmem:s19], [sflag:$0x3], $0x80, s3, s23, $0xb8;
	[tilespmem:$0x1E080] =	vst v63  }
0x69: {  	_ =	swait.ge [sflag:s20], $0x3E80  }
0x6a: {  	[sflag:s20] =	ssyncset.done $0x0  }
0x6b: {  	s3 =	sadd.s32 $0x13980, s0;
	[sflag:s20] =	ssyncadd.s32 $0xFFFFC180  }
0x6c: {  	[tilespmem:s19], [sflag:$0x1] =	stream.indirect.gather [hbm4b:s4+s23], $0x80, s3, s23, $0xb8;
	[tilespmem:$0x1E080] =	vst v63  }
0x6d: {  	_ =	swait.ge [sflag:s26], $0x3E80  }
.Ltmp2:
0x6e: {  	[sflag:s26] =	ssyncset.done $0x0;
	(pc) =	sbr.rel @p1 .LBB2_6-.Ltmp2, $4  }
0x6f: {  	s0 =	sadd.s32 $0x14D00, s0;
	[sflag:s26] =	ssyncadd.s32 $0xFFFFC180  }
0x70: {  	[spmem:s2] =	stream.indirect.scatter.add.f32 [tilespmem:s24], [sflag:$0x3], $0x80, s0, s23, $0xb8;
	[tilespmem:$0x1E080] =	vst v63  }
0x71: {  	_ =	swait.ge [sflag:s20], $0x3E80  }
0x72: {  	s3 =	smov.u32 s8;
	s0 =	sshra.s32 s7, $0x2;
	[sflag:s20] =	ssyncset.done $0x0  }
0x73: {  	s3 =	sadd.s32 $0x13900, s0;
	[sflag:s20] =	ssyncadd.s32 $0xFFFFC180  }
0x74: {  	[tilespmem:s24], [sflag:$0x2] =	stream.indirect.gather [hbm4b:s4+s23], $0x80, s3, s23, $0xb8;
	[tilespmem:$0x1E080] =	vst v63  }
0x75: {  	_ =	swait.ge [sflag:s25], $0x3E80  }
0x76: {  	[sflag:s25] =	ssyncset.done $0x0  }
0x77: {  	s8 =	sadd.s32 $0x14C80, s0;
	[sflag:s25] =	ssyncadd.s32 $0xFFFFC180  }
0x78: {  	[spmem:s2] =	stream.indirect.scatter.add.f32 [tilespmem:s19], [sflag:$0x3], $0x80, s8, s23, $0xb8;
	[tilespmem:$0x1E080] =	vst v63  }
0x79: {  	_ =	swait.ge [sflag:s20], $0x3E80  }
0x7a: {  	[sflag:s20] =	ssyncset.done $0x0  }
0x7b: {  	s6 =	sadd.s32 $0x13980, s0;
	[sflag:s20] =	ssyncadd.s32 $0xFFFFC180  }
0x7c: {  	[tilespmem:s19], [sflag:$0x1] =	stream.indirect.gather [hbm4b:s4+s23], $0x80, s6, s23, $0xb8;
	[tilespmem:$0x1E080] =	vst v63  }
0x7d: {  	_ =	swait.ge [sflag:s26], $0x3E80  }
0x7e: {  	[sflag:s26] =	ssyncset.done $0x0  }
0x7f: {  	s7 =	sadd.s32 $0x14D00, s0;
	[sflag:s26] =	ssyncadd.s32 $0xFFFFC180  }
0x80: {  	[spmem:s2] =	stream.indirect.scatter.add.f32 [tilespmem:s24], [sflag:$0x3], $0x80, s7, s23, $0xb8;
	[tilespmem:$0x1E080] =	vst v63  }
0x81: {  	_ =	swait.ge [sflag:s20], $0x3E80  }
0x82: {  	[sflag:s20] =	ssyncset.done $0x0  }
0x83: {  	[sflag:s20] =	ssyncadd.s32 $0xFFFFC180  }
0x84: {  	[tilespmem:s24], [sflag:$0x2] =	stream.indirect.gather [hbm4b:s4+s23], $0x80, s28, s23, $0xb8;
	[tilespmem:$0x1E080] =	vst v63  }
0x85: {  	_ =	swait.ge [sflag:s25], $0x3E80  }
0x86: {  	[sflag:s25] =	ssyncset.done $0x0  }
0x87: {  	[sflag:s25] =	ssyncadd.s32 $0xFFFFC180  }
0x88: {  	[spmem:s2] =	stream.indirect.scatter.add.f32 [tilespmem:s19], [sflag:$0x3], $0x80, s29, s23, $0xb8;
	[tilespmem:$0x1E080] =	vst v63  }
0x89: {  	_ =	swait.ge [sflag:s20], $0x3E80  }
0x8a: {  	[sflag:s20] =	ssyncset.done $0x0  }
0x8b: {  	[sflag:s20] =	ssyncadd.s32 $0xFFFFC180  }
0x8c: {  	_ =	swait.ge [sflag:s26], $0x3E80  }
0x8d: {  	[sflag:s26] =	ssyncset.done $0x0  }
0x8e: {  	[sflag:s26] =	ssyncadd.s32 $0xFFFFC180  }
0x8f: {  	[spmem:s2] =	stream.indirect.scatter.add.f32 [tilespmem:s24], [sflag:$0x3], $0x80, s30, s23, $0xb8;
	[tilespmem:$0x1E080] =	vst v63  }
0x90: {  	_ =	swait.ge [sflag:s20], $0x3E80  }
0x91: {  	[sflag:s20] =	ssyncset.done $0x0  }
0x92: {  	s8 =	simm.s32 $0x0;
	[sflag:s20] =	ssyncadd.s32 $0xFFFFC180  }
0x93: {  	[tilespmem:s21], [sflag:$0x3] =	stream.linear.gather [hbm4b:s17+s8], $0x1400, $0x38;
	[tilespmem:$0x1E080] =	vst v63  }
0x94: {  	_ =	swait.ge [sflag:s20], $0x1400  }
0x95: {  	[sflag:s20] =	ssyncset.done $0x0  }
0x96: {  	[sflag:s20] =	ssyncadd.s32 $0xFFFFEC00  }
0x97: {  	[tilespmem:s22], [sflag:$0x3] =	stream.linear.gather [hbm4b:s18+s8], $0x1400, $0x38;
	[tilespmem:$0x1E080] =	vst v63  }
0x98: {  	_ =	swait.ge [sflag:s20], $0x1400  }
0x99: {  	[sflag:s20] =	ssyncset.done $0x0  }
0x9a: {  	[sflag:s20] =	ssyncadd.s32 $0xFFFFEC00  }
0x9b: {  	[tilespmem:s19], [sflag:$0x1] =	stream.indirect.gather [hbm4b:s4+s23], $0x80, s21, s23, $0xb8;
	[tilespmem:$0x1E080] =	vst v63  }
0x9c: {  	s3 =	simm.s32 $0x13900  }
0x9d: {  	[tilespmem:s24], [sflag:$0x2] =	stream.indirect.gather [hbm4b:s4+s23], $0x80, s3, s23, $0xb8;
	[tilespmem:$0x1E080] =	vst v63  }
0x9e: {  	_ =	swait.ge [sflag:s25], $0x3E80  }
0x9f: {  	[sflag:s25] =	ssyncset.done $0x0  }
0xa0: {  	s6 =	simm.s32 $0x14C80;
	[sflag:s25] =	ssyncadd.s32 $0xFFFFC180  }
0xa1: {  	[spmem:s2] =	stream.indirect.scatter.add.f32 [tilespmem:s19], [sflag:$0x3], $0x80, s6, s23, $0xb8;
	[tilespmem:$0x1E080] =	vst v63  }
0xa2: {  	_ =	swait.ge [sflag:s20], $0x3E80  }
0xa3: {  	[sflag:s20] =	ssyncset.done $0x0  }
0xa4: {  	s7 =	simm.s32 $0x13980;
	[sflag:s20] =	ssyncadd.s32 $0xFFFFC180  }
0xa5: {  	[tilespmem:s19], [sflag:$0x1] =	stream.indirect.gather [hbm4b:s4+s23], $0x80, s7, s23, $0xb8;
	[tilespmem:$0x1E080] =	vst v63  }
0xa6: {  	_ =	swait.ge [sflag:s26], $0x3E80  }
0xa7: {  	[sflag:s26] =	ssyncset.done $0x0  }
0xa8: {  	s8 =	simm.s32 $0x14D00;
	[sflag:s26] =	ssyncadd.s32 $0xFFFFC180  }
0xa9: {  	[spmem:s2] =	stream.indirect.scatter.add.f32 [tilespmem:s24], [sflag:$0x3], $0x80, s8, s23, $0xb8;
	[tilespmem:$0x1E080] =	vst v63  }
0xaa: {  	_ =	swait.ge [sflag:s20], $0x3E80  }
0xab: {  	s0 =	simm.s32 $0x100;
	s3 =	simm.s32 $0x800;
	[sflag:s20] =	ssyncset.done $0x0  }
.LBB2_8:
0xac: {  	s6 =	sadd.s32 $0x13900, s0  }
0xad: {  	[sflag:s20] =	ssyncadd.s32 $0xFFFFC180;
	s7 =	smov.u32 s3;
	s8 =	sadd.s32 $0x400, s3  }
0xae: {  	[tilespmem:s24], [sflag:$0x2] =	stream.indirect.gather [hbm4b:s4+s23], $0x80, s6, s23, $0xb8;
	[tilespmem:$0x1E080] =	vst v63  }
0xaf: {  	p1 =	sne.s32 s3, $0x4800;
	_ =	swait.ge [sflag:s25], $0x3E80  }
0xb0: {  	[sflag:s25] =	ssyncset.done $0x0  }
0xb1: {  	s3 =	sadd.s32 $0x14C80, s0;
	[sflag:s25] =	ssyncadd.s32 $0xFFFFC180  }
0xb2: {  	[spmem:s2] =	stream.indirect.scatter.add.f32 [tilespmem:s19], [sflag:$0x3], $0x80, s3, s23, $0xb8;
	[tilespmem:$0x1E080] =	vst v63  }
0xb3: {  	_ =	swait.ge [sflag:s20], $0x3E80  }
0xb4: {  	[sflag:s20] =	ssyncset.done $0x0  }
0xb5: {  	s3 =	sadd.s32 $0x13980, s0;
	[sflag:s20] =	ssyncadd.s32 $0xFFFFC180  }
0xb6: {  	[tilespmem:s19], [sflag:$0x1] =	stream.indirect.gather [hbm4b:s4+s23], $0x80, s3, s23, $0xb8;
	[tilespmem:$0x1E080] =	vst v63  }
0xb7: {  	_ =	swait.ge [sflag:s26], $0x3E80  }
.Ltmp3:
0xb8: {  	[sflag:s26] =	ssyncset.done $0x0;
	(pc) =	sbr.rel @p1 .LBB2_8-.Ltmp3, $4  }
0xb9: {  	s0 =	sadd.s32 $0x14D00, s0;
	[sflag:s26] =	ssyncadd.s32 $0xFFFFC180  }
0xba: {  	[spmem:s2] =	stream.indirect.scatter.add.f32 [tilespmem:s24], [sflag:$0x3], $0x80, s0, s23, $0xb8;
	[tilespmem:$0x1E080] =	vst v63  }
0xbb: {  	_ =	swait.ge [sflag:s20], $0x3E80  }
0xbc: {  	s3 =	smov.u32 s8;
	s0 =	sshra.s32 s7, $0x2;
	[sflag:s20] =	ssyncset.done $0x0  }
0xbd: {  	s3 =	sadd.s32 $0x13900, s0;
	[sflag:s20] =	ssyncadd.s32 $0xFFFFC180  }
0xbe: {  	[tilespmem:s24], [sflag:$0x2] =	stream.indirect.gather [hbm4b:s4+s23], $0x80, s3, s23, $0xb8;
	[tilespmem:$0x1E080] =	vst v63  }
0xbf: {  	_ =	swait.ge [sflag:s25], $0x3E80  }
0xc0: {  	[sflag:s25] =	ssyncset.done $0x0  }
0xc1: {  	s6 =	sadd.s32 $0x14C80, s0;
	[sflag:s25] =	ssyncadd.s32 $0xFFFFC180  }
0xc2: {  	[spmem:s2] =	stream.indirect.scatter.add.f32 [tilespmem:s19], [sflag:$0x3], $0x80, s6, s23, $0xb8;
	[tilespmem:$0x1E080] =	vst v63  }
0xc3: {  	_ =	swait.ge [sflag:s20], $0x3E80  }
0xc4: {  	[sflag:s20] =	ssyncset.done $0x0  }
0xc5: {  	s7 =	sadd.s32 $0x13980, s0;
	[sflag:s20] =	ssyncadd.s32 $0xFFFFC180  }
0xc6: {  	[tilespmem:s19], [sflag:$0x1] =	stream.indirect.gather [hbm4b:s4+s23], $0x80, s7, s23, $0xb8;
	[tilespmem:$0x1E080] =	vst v63  }
0xc7: {  	_ =	swait.ge [sflag:s26], $0x3E80  }
0xc8: {  	[sflag:s26] =	ssyncset.done $0x0  }
0xc9: {  	s8 =	sadd.s32 $0x14D00, s0;
	[sflag:s26] =	ssyncadd.s32 $0xFFFFC180  }
0xca: {  	[spmem:s2] =	stream.indirect.scatter.add.f32 [tilespmem:s24], [sflag:$0x3], $0x80, s8, s23, $0xb8;
	[tilespmem:$0x1E080] =	vst v63  }
0xcb: {  	_ =	swait.ge [sflag:s20], $0x3E80  }
0xcc: {  	[sflag:s20] =	ssyncset.done $0x0  }
0xcd: {  	[sflag:s20] =	ssyncadd.s32 $0xFFFFC180  }
0xce: {  	[tilespmem:s24], [sflag:$0x2] =	stream.indirect.gather [hbm4b:s4+s23], $0x80, s28, s23, $0xb8;
	[tilespmem:$0x1E080] =	vst v63  }
0xcf: {  	_ =	swait.ge [sflag:s25], $0x3E80  }
0xd0: {  	[sflag:s25] =	ssyncset.done $0x0  }
0xd1: {  	[sflag:s25] =	ssyncadd.s32 $0xFFFFC180  }
0xd2: {  	[spmem:s2] =	stream.indirect.scatter.add.f32 [tilespmem:s19], [sflag:$0x3], $0x80, s29, s23, $0xb8;
	[tilespmem:$0x1E080] =	vst v63  }
0xd3: {  	_ =	swait.ge [sflag:s20], $0x3E80  }
0xd4: {  	[sflag:s20] =	ssyncset.done $0x0  }
0xd5: {  	[sflag:s20] =	ssyncadd.s32 $0xFFFFC180  }
0xd6: {  	_ =	swait.ge [sflag:s26], $0x3E80  }
0xd7: {  	[sflag:s26] =	ssyncset.done $0x0  }
0xd8: {  	[sflag:s26] =	ssyncadd.s32 $0xFFFFC180  }
0xd9: {  	[spmem:s2] =	stream.indirect.scatter.add.f32 [tilespmem:s24], [sflag:$0x3], $0x80, s30, s23, $0xb8;
	[tilespmem:$0x1E080] =	vst v63  }
0xda: {  	_ =	swait.ge [sflag:s20], $0x3E80  }
0xdb: {  	s0 =	sshll.u32 @!p0 s1, $0x6;
	[sflag:s20] =	ssyncset.done $0x0  }
0xdc: {  	s31 =	sadd.s32 $0x1, s31;
	s0 =	sor.u32 @!p0 $0x1C03, s0;
	[sflag:s20] =	ssyncadd.s32 $0xFFFFC180  }
0xdd: {  	s3 =	sshrl.u32 @!p0 s5, $0x3;
	p1 =	sne.s32 s31, s14;
	[bflag:$0x0] =	sbarrier.arrive $0xFFFF  }
0xde: {  	[hbm:s13], [sflag:s0] =	dma.local @!p0 [spmem:s3], $0x3E80  }
.Ltmp4:
0xdf: {  	_ = 	snop;
	(pc) =	sbr.rel @p1 .LBB2_1-.Ltmp4, $4  }
0xe0: {  	s0 =	simm.s32 @!p0 $0x3  }
0xe1: {  	_ =	swait.ge @!p0 [sflag:s0], $0x3E80  }
0xe2: {  	[sflag:s0] =	ssyncset.done @!p0 $0x0  }
0xe3: {  	[sflag:s0] =	ssyncadd.s32 @!p0 $0xFFFFC180  }
0xe4: {  	_ =	sfence.sel $0x180000  }
0xe5: {  	[bflag:$0x0] =	sbarrier.arrive $0xFFFF  }
0xe6: {  	_ =	strace $0x9000004D  }
0xe7: {  	[bflag:$0x2] =	sbarrier.arrive $0xFFFF  }
0xe8: {  	p0 =	sne.s32 s1, $0x0;
	s0 =	rddreg [dreg:$0x2]  }
0xe9: {  	s0 =	sadd.s32 @!p0 $0x100000, s0  }
0xea: {  	[sflag:s0] =	ssyncadd.tile.s32 @!p0 $0x1;
	_ =	shalt  }
.Lfunc_end2:
_tile_overlayer_lowered:
.L_overlay_start_2:
0xeb: {  	(tag) =	ssettag $0x2  }
0xec: {  	s0 =	rddreg [dreg:$0x0];
	s2 =	stileid.u32  }
0xed: {  	s1 =	rddreg [dreg:$0x1];
	p0 =	sne.s32 s2, $0x0  }
0xee: {  	s3 =	rddreg [dreg:$0x2];
	[bflag:$0x3] =	sbarrier.arrive $0xFFFF;
	s2 =	simm.s32 @!p0 $0x1C03  }
0xef: {  	[timem:s3], [sflag:s2] =	dma.local @!p0 [hbm:s0], s1  }
0xf0: {  	s0 =	simm.s32 @!p0 $0x3  }
0xf1: {  	_ =	swait.ge @!p0 [sflag:s0], s1  }
0xf2: {  	s1 =	ssub.s32 @!p0 $0x0, s1;
	[sflag:s0] =	ssyncset.done @!p0 $0x0  }
0xf3: {  	[sflag:s0] =	ssyncadd.s32 @!p0 s1  }
0xf4: {  	[bflag:$0x3] =	sbarrier.arrive $0xFFFF  }
0xf5: {  	_ =	shalt  }

</sc_bundles>
